<compile_context>
chip_gen: v7x
topology: tpu7x:2x2x1
jax: 0.10.2.dev20260603
libtpu: 0.0.44.dev20260713+nightly
codegen_flags: <defaults>
</compile_context>

<pallas_src>
import functools

import jax
import jax.numpy as jnp
from jax import lax
from jax.experimental import pallas as pl
from jax.experimental.pallas import tpu as pltpu
from jax.experimental.pallas import tpu_sc as plsc

B = 2048
E = 1024
NB = 8
NCLASS = 1000
TB = 128
NT = 24
PAD = NT * TB
BT = 256

_f32 = jnp.float32



def _sc_perm(table, idx_in, idx_out, out_rows):
    V, D = table.shape
    Bc = (idx_in if idx_in is not None else idx_out).shape[0]
    info = plsc.get_sparse_core_info()
    NC, NS = info.num_cores, info.num_subcores
    NW = NC * NS
    assert Bc % (8 * NW) == 0 and D % info.num_lanes == 0
    npw = Bc // NW
    mesh = plsc.VectorSubcoreMesh(core_axis_name="c", subcore_axis_name="s")

    scratch = []
    if idx_in is not None:
        scratch.append(pltpu.VMEM((npw,), jnp.int32))
    if idx_out is not None:
        scratch.append(pltpu.VMEM((npw,), jnp.int32))
    scratch += [pltpu.VMEM((npw, D), _f32), pltpu.SemaphoreType.DMA]

    @functools.partial(
        pl.kernel, mesh=mesh,
        out_type=jax.ShapeDtypeStruct((out_rows, D), _f32),
        scratch_types=scratch,
    )
    def perm_k(*refs):
        pos = 0
        table_hbm = refs[pos]; pos += 1
        ii_hbm = io_hbm = None
        if idx_in is not None:
            ii_hbm = refs[pos]; pos += 1
        if idx_out is not None:
            io_hbm = refs[pos]; pos += 1
        out_hbm = refs[pos]; pos += 1
        ii_v = io_v = None
        if idx_in is not None:
            ii_v = refs[pos]; pos += 1
        if idx_out is not None:
            io_v = refs[pos]; pos += 1
        rows_v, sem = refs[pos], refs[pos + 1]

        wid = lax.axis_index("s") * NC + lax.axis_index("c")
        base = wid * npw
        if idx_in is not None:
            pltpu.sync_copy(ii_hbm.at[pl.ds(base, npw)], ii_v)
        if idx_out is not None:
            pltpu.sync_copy(io_hbm.at[pl.ds(base, npw)], io_v)
        if idx_in is not None:
            pltpu.async_copy(table_hbm.at[ii_v], rows_v, sem).wait()
        else:
            pltpu.sync_copy(table_hbm.at[pl.ds(base, npw)], rows_v)
        if idx_out is not None:
            pltpu.async_copy(rows_v, out_hbm.at[io_v], sem).wait()
        else:
            pltpu.sync_copy(rows_v, out_hbm.at[pl.ds(base, npw)])

    args = [table]
    if idx_in is not None:
        args.append(idx_in)
    if idx_out is not None:
        args.append(idx_out)
    return perm_k(*args)



def _embed_head(x, emb_W, emb_b, a1W, a1b, a2Wp, a2bp):

    def body(x_ref, eW, eb, w1, b1, w2, b2, state_ref, lg_ref):
        st = jnp.dot(x_ref[...], eW[...], preferred_element_type=_f32) + eb[...]
        state_ref[...] = st
        h = jnp.maximum(jnp.dot(st, w1[...], preferred_element_type=_f32) + b1[...], 0.0)
        lg_ref[...] = jnp.dot(h, w2[...], preferred_element_type=_f32) + b2[...]

    return pl.pallas_call(
        body,
        grid=(B // BT,),
        in_specs=[
            pl.BlockSpec((BT, E), lambda i: (i, 0)),
            pl.BlockSpec((E, E), lambda i: (0, 0)),
            pl.BlockSpec((1, E), lambda i: (0, 0)),
            pl.BlockSpec((E, E), lambda i: (0, 0)),
            pl.BlockSpec((1, E), lambda i: (0, 0)),
            pl.BlockSpec((E, NB), lambda i: (0, 0)),
            pl.BlockSpec((1, NB), lambda i: (0, 0)),
        ],
        out_specs=[
            pl.BlockSpec((BT, E), lambda i: (i, 0)),
            pl.BlockSpec((BT, NB), lambda i: (i, 0)),
        ],
        out_shape=[
            jax.ShapeDtypeStruct((B, E), _f32),
            jax.ShapeDtypeStruct((B, NB), _f32),
        ],
        compiler_params=pltpu.CompilerParams(
            dimension_semantics=("arbitrary",)),
    )(x, emb_W, emb_b, a1W, a1b, a2Wp, a2bp)


def _jump_with_addr(xs, te, nu, W1, b1, W2, b2, A1, Ab1, A2p, Ab2p):

    def body(te_r, nu_r, x_ref, w1, b1_, w2, b2_, a1, ab1, a2, ab2,
             ns_ref, lg_ref):
        t = pl.program_id(0)

        @pl.when(t < nu_r[0])
        def _():
            x = x_ref[...]
            norm = jnp.sqrt(jnp.sum(x * x, axis=1, keepdims=True))
            h1 = jnp.maximum(jnp.dot(x, w1[0], preferred_element_type=_f32) + b1_[0], 0.0)
            h2 = jnp.maximum(jnp.dot(h1, w2[0], preferred_element_type=_f32) + b2_[0], 0.0)
            ns = h2 / (norm + 1e-6)
            ns_ref[...] = ns
            av = jnp.maximum(jnp.dot(ns, a1[0], preferred_element_type=_f32) + ab1[0], 0.0)
            z = jnp.dot(av, a2[0], preferred_element_type=_f32) + ab2[0]
            lg_ref[...] = jnp.concatenate(
                [z, jnp.full((TB, 128 - NB), -1e9, _f32)], axis=1)

    def xmap(t, te_r, nu_r):
        return (jnp.minimum(t, nu_r[0] - 1), 0)

    def wmap(t, te_r, nu_r):
        return (te_r[t], 0, 0)

    grid_spec = pltpu.PrefetchScalarGridSpec(
        num_scalar_prefetch=2,
        grid=(NT,),
        in_specs=[
            pl.BlockSpec((TB, E), xmap),
            pl.BlockSpec((1, E, E), wmap),
            pl.BlockSpec((1, 1, E), wmap),
            pl.BlockSpec((1, E, E), wmap),
            pl.BlockSpec((1, 1, E), wmap),
            pl.BlockSpec((1, E, E), wmap),
            pl.BlockSpec((1, 1, E), wmap),
            pl.BlockSpec((1, E, NB), wmap),
            pl.BlockSpec((1, 1, NB), wmap),
        ],
        out_specs=[
            pl.BlockSpec((TB, E), xmap),
            pl.BlockSpec((TB, 128), xmap),
        ],
    )
    return pl.pallas_call(
        body,
        grid_spec=grid_spec,
        out_shape=[
            jax.ShapeDtypeStruct((PAD, E), _f32),
            jax.ShapeDtypeStruct((PAD, 128), _f32),
        ],
        compiler_params=pltpu.CompilerParams(
            dimension_semantics=("arbitrary",)),
    )(te, nu, xs, W1, b1, W2, b2, A1, Ab1, A2p, Ab2p)


def _jump_plain(xs, te, nu, W1, b1, W2, b2):

    def body(te_r, nu_r, x_ref, w1, b1_, w2, b2_, ns_ref):
        t = pl.program_id(0)

        @pl.when(t < nu_r[0])
        def _():
            x = x_ref[...]
            norm = jnp.sqrt(jnp.sum(x * x, axis=1, keepdims=True))
            h1 = jnp.maximum(jnp.dot(x, w1[0], preferred_element_type=_f32) + b1_[0], 0.0)
            h2 = jnp.maximum(jnp.dot(h1, w2[0], preferred_element_type=_f32) + b2_[0], 0.0)
            ns_ref[...] = h2 / (norm + 1e-6)

    def xmap(t, te_r, nu_r):
        return (jnp.minimum(t, nu_r[0] - 1), 0)

    def wmap(t, te_r, nu_r):
        return (te_r[t], 0, 0)

    grid_spec = pltpu.PrefetchScalarGridSpec(
        num_scalar_prefetch=2,
        grid=(NT,),
        in_specs=[
            pl.BlockSpec((TB, E), xmap),
            pl.BlockSpec((1, E, E), wmap),
            pl.BlockSpec((1, 1, E), wmap),
            pl.BlockSpec((1, E, E), wmap),
            pl.BlockSpec((1, 1, E), wmap),
        ],
        out_specs=pl.BlockSpec((TB, E), xmap),
    )
    return pl.pallas_call(
        body,
        grid_spec=grid_spec,
        out_shape=jax.ShapeDtypeStruct((PAD, E), _f32),
        compiler_params=pltpu.CompilerParams(
            dimension_semantics=("arbitrary",)),
    )(te, nu, xs, W1, b1, W2, b2)


def _out_head(x, W1, b1, W2p, b2p):
    def body(x_ref, w1, b1_, w2, b2_, o_ref):
        h = jnp.maximum(jnp.dot(x_ref[...], w1[...], preferred_element_type=_f32) + b1_[...], 0.0)
        o_ref[...] = jnp.dot(h, w2[...], preferred_element_type=_f32) + b2_[...]

    return pl.pallas_call(
        body,
        grid=(B // BT,),
        in_specs=[
            pl.BlockSpec((BT, E), lambda i: (i, 0)),
            pl.BlockSpec((E, E), lambda i: (0, 0)),
            pl.BlockSpec((1, E), lambda i: (0, 0)),
            pl.BlockSpec((E, NCLASS), lambda i: (0, 0)),
            pl.BlockSpec((1, NCLASS), lambda i: (0, 0)),
        ],
        out_specs=pl.BlockSpec((BT, NCLASS), lambda i: (i, 0)),
        out_shape=jax.ShapeDtypeStruct((B, NCLASS), _f32),
        compiler_params=pltpu.CompilerParams(
            dimension_semantics=("arbitrary",)),
    )(x, W1, b1, W2p, b2p)



def _gumbel(i):
    key = jax.random.fold_in(jax.random.key(42), i)
    u = jax.random.uniform(key, (B, 1, NB), minval=1e-10, maxval=1.0)
    return (-jnp.log(-jnp.log(u))).reshape(B, NB)


def _route_build(lg, g):
    W = lg.shape[1]

    def body(lg_ref, g_ref, ppos_ref, te_ref, nu_ref):
        z = lg_ref[:, :NB] + g_ref[...]
        m = jnp.max(z, axis=1, keepdims=True)
        io8 = lax.broadcasted_iota(jnp.int32, (B, NB), 1)
        eidx = jnp.min(jnp.where(z == m, io8, NB), axis=1, keepdims=True)
        oh = (eidx == io8).astype(_f32)
        r = lax.broadcasted_iota(jnp.int32, (TB, TB), 0)
        c = lax.broadcasted_iota(jnp.int32, (TB, TB), 1)
        ltri = (c <= r).astype(_f32)
        parts = []
        carry = jnp.zeros((1, NB), _f32)
        for gi in range(B // TB):
            cs = jnp.dot(ltri, oh[gi * TB:(gi + 1) * TB, :],
                         preferred_element_type=_f32) + carry
            parts.append(cs)
            carry = cs[TB - 1:TB, :]
        csum = jnp.concatenate(parts, axis=0)
        rank = jnp.sum(oh * csum, axis=1, keepdims=True) - 1.0
        counts = carry
        tiles = jnp.floor((counts + (TB - 1)) * (1.0 / TB))
        u8r = lax.broadcasted_iota(jnp.int32, (NB, NB), 0)
        u8c = lax.broadcasted_iota(jnp.int32, (NB, NB), 1)
        utri = (u8r <= u8c).astype(_f32)
        cumt = jnp.dot(tiles, utri, preferred_element_type=_f32)
        nused = cumt[0:1, NB - 1:NB]
        tile_start = (cumt - tiles) * float(TB)
        ppos = jnp.sum(oh * tile_start, axis=1, keepdims=True) + rank
        ppos_ref[...] = ppos.astype(jnp.int32)
        tio = lax.broadcasted_iota(jnp.int32, (NT, 1), 0).astype(_f32)
        tcl = jnp.minimum(tio, nused - 1.0)
        te_ref[...] = jnp.sum((cumt <= tcl).astype(jnp.int32), axis=1,
                              keepdims=True)
        nu_ref[...] = nused.astype(jnp.int32)

    ppos, te, nu = pl.pallas_call(
        body,
        in_specs=[
            pl.BlockSpec((B, W), lambda: (0, 0)),
            pl.BlockSpec((B, NB), lambda: (0, 0)),
        ],
        out_specs=[
            pl.BlockSpec((B, 1), lambda: (0, 0)),
            pl.BlockSpec((NT, 1), lambda: (0, 0)),
            pl.BlockSpec((1, 1), lambda: (0, 0)),
        ],
        out_shape=[
            jax.ShapeDtypeStruct((B, 1), jnp.int32),
            jax.ShapeDtypeStruct((NT, 1), jnp.int32),
            jax.ShapeDtypeStruct((1, 1), jnp.int32),
        ],
    )(lg, g)
    return ppos.reshape(B), te.reshape(NT), nu.reshape(1)



def kernel(x, emb_W, emb_b, st_W1, st_b1, st_W2, st_b2,
           at_W1, at_b1, at_W2, at_b2, out_W1, out_b1, out_W2, out_b2):
    emb_b2 = emb_b.reshape(1, E)
    st_b1r = st_b1.reshape(NB, 1, E)
    st_b2r = st_b2.reshape(NB, 1, E)
    at_b1r = at_b1.reshape(NB, 1, E)
    at_b2r = at_b2.reshape(NB, 1, NB)

    state, lg0 = _embed_head(x, emb_W, emb_b2,
                             at_W1[0], at_b1[0].reshape(1, E),
                             at_W2[0], at_b2[0].reshape(1, NB))

    ppos1, te1, nu1 = _route_build(lg0, _gumbel(0))
    xs1 = _sc_perm(state, None, ppos1, PAD)
    ns1, lgp1 = _jump_with_addr(xs1, te1, nu1, st_W1, st_b1r, st_W2, st_b2r,
                                at_W1, at_b1r, at_W2, at_b2r)

    lg1 = _sc_perm(lgp1, ppos1, None, B)
    ppos2, te2, nu2 = _route_build(lg1, _gumbel(1))
    xs2 = _sc_perm(ns1, ppos1, ppos2, PAD)
    ns2 = _jump_plain(xs2, te2, nu2, st_W1, st_b1r, st_W2, st_b2r)

    state_f = _sc_perm(ns2, ppos2, None, B)
    return _out_head(state_f, out_W1, out_b1.reshape(1, E),
                     out_W2, out_b2.reshape(1, NCLASS))

# --- scband reference (transcript-rebuilt; emitter-appended) ---
"""Pipeline reference for scband-self-organizing-brain-43508018708625 (READ-ONLY COPY).

The authoritative reference and input builder live on the scoring server;
editing this copy changes nothing except your own understanding.
"""

import jax, jax.numpy as jnp
import numpy as np

INPUT_SIZE = 1024
EMB = 1024
BRAIN = 8
ADIM = 1
NJUMPS = 2
NCLASS = 1000
NB = BRAIN ** ADIM
BATCH = 2048


def setup_inputs(seed: int = 0) -> dict:
    key = jax.random.key(seed)
    ks = jax.random.split(key, 16)
    s = 0.02
    return {
        "x": jax.random.normal(ks[0], (BATCH, INPUT_SIZE), dtype=jnp.float32),
        "emb_W": jax.random.normal(ks[1], (INPUT_SIZE, EMB), dtype=jnp.float32) * s,
        "emb_b": jnp.zeros((EMB,), dtype=jnp.float32),
        "st_W1": jax.random.normal(ks[2], (NB, EMB, EMB), dtype=jnp.float32) * s,
        "st_b1": jnp.zeros((NB, EMB), dtype=jnp.float32),
        "st_W2": jax.random.normal(ks[3], (NB, EMB, EMB), dtype=jnp.float32) * s,
        "st_b2": jnp.zeros((NB, EMB), dtype=jnp.float32),
        "at_W1": jax.random.normal(ks[4], (NB, EMB, EMB), dtype=jnp.float32) * s,
        "at_b1": jnp.zeros((NB, EMB), dtype=jnp.float32),
        "at_W2": jax.random.normal(ks[5], (NB, EMB, ADIM * BRAIN), dtype=jnp.float32) * s,
        "at_b2": jnp.zeros((NB, ADIM * BRAIN), dtype=jnp.float32),
        "out_W1": jax.random.normal(ks[6], (EMB, EMB), dtype=jnp.float32) * s,
        "out_b1": jnp.zeros((EMB,), dtype=jnp.float32),
        "out_W2": jax.random.normal(ks[7], (EMB, NCLASS), dtype=jnp.float32) * s,
        "out_b2": jnp.zeros((NCLASS,), dtype=jnp.float32),
    }


def _gumbel_softmax_hard(logits, key, tau=1.0):
    u = jax.random.uniform(key, logits.shape, minval=1e-10, maxval=1.0)
    g = -jnp.log(-jnp.log(u))
    y = jax.nn.softmax((logits + g) / tau, axis=-1)
    idx = jnp.argmax(y, axis=-1)
    y_hard = jax.nn.one_hot(idx, logits.shape[-1], dtype=y.dtype)
    # straight-through
    return y_hard + y - jax.lax.stop_gradient(y)


def _flatten_onehot(oh):
    # oh: [B, ADIM, BRAIN] -> block weights [B, BRAIN**ADIM]
    bw = oh[:, 0, :]
    for d in range(1, ADIM):
        bw = jnp.einsum('bi,bj->bij', bw, oh[:, d, :]).reshape(oh.shape[0], -1)
    return bw


def reference(x, emb_W, emb_b, st_W1, st_b1, st_W2, st_b2,
              at_W1, at_b1, at_W2, at_b2, out_W1, out_b1, out_W2, out_b2):
    gkey = jax.random.key(42)
    state = x.reshape(x.shape[0], -1) @ emb_W + emb_b
    # initial address from block 0's address_transform
    h0 = jax.nn.relu(state @ at_W1[0] + at_b1[0])
    logits0 = (h0 @ at_W2[0] + at_b2[0]).reshape(-1, ADIM, BRAIN)
    addr = _gumbel_softmax_hard(logits0, jax.random.fold_in(gkey, 0))
    for i in range(NJUMPS):
        bw = _flatten_onehot(addr)  # [B, NB]
        # state_transform of every block: Linear -> ReLU -> Linear -> ReLU
        h1 = jax.nn.relu(jnp.einsum('bd,nde->bne', state, st_W1) + st_b1[None, :, :])
        h2 = jax.nn.relu(jnp.einsum('bne,nef->bnf', h1, st_W2) + st_b2[None, :, :])
        norm = jnp.linalg.norm(state, ord=2, axis=1, keepdims=True)  # [B,1]
        normalized = h2 / (norm[:, :, None] + 1e-06)  # [B,NB,EMB]
        new_state = jnp.einsum('bn,bne->be', bw, normalized)
        # address_transform of every block, weighted by block weights
        a1 = jax.nn.relu(jnp.einsum('bd,nde->bne', new_state, at_W1) + at_b1[None, :, :])
        a2 = jnp.einsum('bne,nel->bnl', a1, at_W2) + at_b2[None, :, :]
        logits = jnp.einsum('bn,bnl->bl', bw, a2).reshape(-1, ADIM, BRAIN)
        addr = _gumbel_softmax_hard(logits, jax.random.fold_in(gkey, i + 1))
        state = new_state
    o = jax.nn.relu(state @ out_W1 + out_b1)
    return o @ out_W2 + out_b2

if __name__ == "__main__":
    import jax
    _d = setup_inputs()
    print(jax.jit(kernel)(*tuple(_d.values())))

</pallas_src>

<mosaic_0001>
#map = affine_map<(d0, d1) -> (0, 0)>
#map1 = affine_map<(d0, d1) -> (0)>
module attributes {stable_mosaic.version = 14 : i64} {
  func.func @perm_k(%arg0: i32, %arg1: i32, %arg2: memref<3072x128xf32, #tpu.memory_space<hbm>>, %arg3: memref<2048xi32, #tpu.memory_space<hbm>>, %arg4: memref<2048x128xf32, #tpu.memory_space<hbm>>, %arg5: memref<64xi32, #tpu.memory_space<vmem>>, %arg6: memref<64x128xf32, #tpu.memory_space<vmem>>, %arg7: memref<!tpu.dma_semaphore, #tpu.memory_space<semaphore_mem>>) attributes {dimension_semantics = [#tpu.dimension_semantics<core_parallel>, #tpu.dimension_semantics<subcore_parallel>], iteration_bounds = array<i64: 2, 16>, scalar_prefetch = 0 : i64, scratch_operands = 3 : i64, tpu.core_type = #tpu.core_type<sc_vector_subcore>, window_params = [{transform_indices = #map}, {transform_indices = #map1}, {transform_indices = #map}]} {
    %mul3A = arith.constant 2 : i32
    %mul3A_0 = arith.muli %arg1, %mul3A : i32
    %add3A = arith.addi %mul3A_0, %arg0 : i32
    %mul3A_1 = arith.constant 64 : i32
    %mul3A_2 = arith.muli %add3A, %mul3A_1 : i32
    "tpu.region"() ({
      %run_scoped3A = tpu.sem_alloc : memref<!tpu.dma_semaphore, #tpu.memory_space<semaphore_mem>>
      %dma_start3A_7 = tpu.memref_slice %arg3[%mul3A_2] : memref<2048xi32, #tpu.memory_space<hbm>> -> memref<64xi32, #tpu.memory_space<hbm>>
      %dma_start3A_8 = tpu.memref_slice %arg3[%mul3A_2] : memref<2048xi32, #tpu.memory_space<hbm>> -> memref<64xi32, #tpu.memory_space<hbm>>
      tpu.enqueue_dma source(%dma_start3A_8 : memref<64xi32, #tpu.memory_space<hbm>>) target(%arg5 : memref<64xi32, #tpu.memory_space<vmem>>) target_semaphore(%run_scoped3A : memref<!tpu.dma_semaphore, #tpu.memory_space<semaphore_mem>>)
      %dma_wait3A_9 = tpu.memref_slice %arg3[%mul3A_2] : memref<2048xi32, #tpu.memory_space<hbm>> -> memref<64xi32, #tpu.memory_space<hbm>>
      %dma_wait3A_10 = tpu.memref_slice %arg3[%mul3A_2] : memref<2048xi32, #tpu.memory_space<hbm>> -> memref<64xi32, #tpu.memory_space<hbm>>
      tpu.wait_dma2 semaphore(%run_scoped3A : memref<!tpu.dma_semaphore, #tpu.memory_space<semaphore_mem>>) src(%dma_wait3A_10 : memref<64xi32, #tpu.memory_space<hbm>>) dst(%arg5 : memref<64xi32, #tpu.memory_space<vmem>>)
      tpu.yield
    }) : () -> ()
    %dma_start3A = arith.constant 0 : i32
    %dma_start3A_3 = arith.constant 0 : i32
    %dma_start3A_4 = tpu.memref_slice %arg2[%dma_start3A, %dma_start3A_3] : memref<3072x128xf32, #tpu.memory_space<hbm>> -> memref<3072x128xf32, #tpu.memory_space<hbm>>
    tpu.enqueue_indirect_dma source(%dma_start3A_4 : memref<3072x128xf32, #tpu.memory_space<hbm>>) target(%arg6 : memref<64x128xf32, #tpu.memory_space<vmem>>) offsets(%arg5 : memref<64xi32, #tpu.memory_space<vmem>>) semaphore(%arg7 : memref<!tpu.dma_semaphore, #tpu.memory_space<semaphore_mem>>)
    %dma_wait3A = arith.constant 0 : i32
    %dma_wait3A_5 = arith.constant 0 : i32
    %dma_wait3A_6 = tpu.memref_slice %arg2[%dma_wait3A, %dma_wait3A_5] : memref<3072x128xf32, #tpu.memory_space<hbm>> -> memref<3072x128xf32, #tpu.memory_space<hbm>>
    tpu.wait_indirect_dma semaphore(%arg7 : memref<!tpu.dma_semaphore, #tpu.memory_space<semaphore_mem>>) src(%dma_wait3A_6 : memref<3072x128xf32, #tpu.memory_space<hbm>>) dst(%arg6 : memref<64x128xf32, #tpu.memory_space<vmem>>)
    "tpu.region"() ({
      %run_scoped3A = tpu.sem_alloc : memref<!tpu.dma_semaphore, #tpu.memory_space<semaphore_mem>>
      %dma_start3A_7 = arith.constant 0 : i32
      %dma_start3A_8 = tpu.memref_slice %arg4[%mul3A_2, %dma_start3A_7] : memref<2048x128xf32, #tpu.memory_space<hbm>> -> memref<64x128xf32, #tpu.memory_space<hbm>>
      %dma_start3A_9 = arith.constant 0 : i32
      %dma_start3A_10 = tpu.memref_slice %arg4[%mul3A_2, %dma_start3A_9] : memref<2048x128xf32, #tpu.memory_space<hbm>> -> memref<64x128xf32, #tpu.memory_space<hbm>>
      tpu.enqueue_dma source(%arg6 : memref<64x128xf32, #tpu.memory_space<vmem>>) target(%dma_start3A_10 : memref<64x128xf32, #tpu.memory_space<hbm>>) target_semaphore(%run_scoped3A : memref<!tpu.dma_semaphore, #tpu.memory_space<semaphore_mem>>)
      %dma_wait3A_11 = arith.constant 0 : i32
      %dma_wait3A_12 = tpu.memref_slice %arg4[%mul3A_2, %dma_wait3A_11] : memref<2048x128xf32, #tpu.memory_space<hbm>> -> memref<64x128xf32, #tpu.memory_space<hbm>>
      %dma_wait3A_13 = arith.constant 0 : i32
      %dma_wait3A_14 = tpu.memref_slice %arg4[%mul3A_2, %dma_wait3A_13] : memref<2048x128xf32, #tpu.memory_space<hbm>> -> memref<64x128xf32, #tpu.memory_space<hbm>>
      tpu.wait_dma2 semaphore(%run_scoped3A : memref<!tpu.dma_semaphore, #tpu.memory_space<semaphore_mem>>) src(%arg6 : memref<64x128xf32, #tpu.memory_space<vmem>>) dst(%dma_wait3A_14 : memref<64x128xf32, #tpu.memory_space<hbm>>)
      tpu.yield
    }) : () -> ()
    return
  }
}

#map = affine_map<(d0, d1) -> (0, 0)>
#map1 = affine_map<(d0, d1) -> (0)>
module attributes {stable_mosaic.version = 14 : i64} {
  func.func @perm_k(%arg0: i32, %arg1: i32, %arg2: memref<3072x1024xf32, #tpu.memory_space<hbm>>, %arg3: memref<2048xi32, #tpu.memory_space<hbm>>, %arg4: memref<2048xi32, #tpu.memory_space<hbm>>, %arg5: memref<3072x1024xf32, #tpu.memory_space<hbm>>, %arg6: memref<64xi32, #tpu.memory_space<vmem>>, %arg7: memref<64xi32, #tpu.memory_space<vmem>>, %arg8: memref<64x1024xf32, #tpu.memory_space<vmem>>, %arg9: memref<!tpu.dma_semaphore, #tpu.memory_space<semaphore_mem>>) attributes {dimension_semantics = [#tpu.dimension_semantics<core_parallel>, #tpu.dimension_semantics<subcore_parallel>], iteration_bounds = array<i64: 2, 16>, scalar_prefetch = 0 : i64, scratch_operands = 4 : i64, tpu.core_type = #tpu.core_type<sc_vector_subcore>, window_params = [{transform_indices = #map}, {transform_indices = #map1}, {transform_indices = #map1}, {transform_indices = #map}]} {
    %mul3A = arith.constant 2 : i32
    %mul3A_0 = arith.muli %arg1, %mul3A : i32
    %add3A = arith.addi %mul3A_0, %arg0 : i32
    %mul3A_1 = arith.constant 64 : i32
    %mul3A_2 = arith.muli %add3A, %mul3A_1 : i32
    "tpu.region"() ({
      %run_scoped3A = tpu.sem_alloc : memref<!tpu.dma_semaphore, #tpu.memory_space<semaphore_mem>>
      %dma_start3A_13 = tpu.memref_slice %arg3[%mul3A_2] : memref<2048xi32, #tpu.memory_space<hbm>> -> memref<64xi32, #tpu.memory_space<hbm>>
      %dma_start3A_14 = tpu.memref_slice %arg3[%mul3A_2] : memref<2048xi32, #tpu.memory_space<hbm>> -> memref<64xi32, #tpu.memory_space<hbm>>
      tpu.enqueue_dma source(%dma_start3A_14 : memref<64xi32, #tpu.memory_space<hbm>>) target(%arg6 : memref<64xi32, #tpu.memory_space<vmem>>) target_semaphore(%run_scoped3A : memref<!tpu.dma_semaphore, #tpu.memory_space<semaphore_mem>>)
      %dma_wait3A_15 = tpu.memref_slice %arg3[%mul3A_2] : memref<2048xi32, #tpu.memory_space<hbm>> -> memref<64xi32, #tpu.memory_space<hbm>>
      %dma_wait3A_16 = tpu.memref_slice %arg3[%mul3A_2] : memref<2048xi32, #tpu.memory_space<hbm>> -> memref<64xi32, #tpu.memory_space<hbm>>
      tpu.wait_dma2 semaphore(%run_scoped3A : memref<!tpu.dma_semaphore, #tpu.memory_space<semaphore_mem>>) src(%dma_wait3A_16 : memref<64xi32, #tpu.memory_space<hbm>>) dst(%arg6 : memref<64xi32, #tpu.memory_space<vmem>>)
      tpu.yield
    }) : () -> ()
    "tpu.region"() ({
      %run_scoped3A = tpu.sem_alloc : memref<!tpu.dma_semaphore, #tpu.memory_space<semaphore_mem>>
      %dma_start3A_13 = tpu.memref_slice %arg4[%mul3A_2] : memref<2048xi32, #tpu.memory_space<hbm>> -> memref<64xi32, #tpu.memory_space<hbm>>
      %dma_start3A_14 = tpu.memref_slice %arg4[%mul3A_2] : memref<2048xi32, #tpu.memory_space<hbm>> -> memref<64xi32, #tpu.memory_space<hbm>>
      tpu.enqueue_dma source(%dma_start3A_14 : memref<64xi32, #tpu.memory_space<hbm>>) target(%arg7 : memref<64xi32, #tpu.memory_space<vmem>>) target_semaphore(%run_scoped3A : memref<!tpu.dma_semaphore, #tpu.memory_space<semaphore_mem>>)
      %dma_wait3A_15 = tpu.memref_slice %arg4[%mul3A_2] : memref<2048xi32, #tpu.memory_space<hbm>> -> memref<64xi32, #tpu.memory_space<hbm>>
      %dma_wait3A_16 = tpu.memref_slice %arg4[%mul3A_2] : memref<2048xi32, #tpu.memory_space<hbm>> -> memref<64xi32, #tpu.memory_space<hbm>>
      tpu.wait_dma2 semaphore(%run_scoped3A : memref<!tpu.dma_semaphore, #tpu.memory_space<semaphore_mem>>) src(%dma_wait3A_16 : memref<64xi32, #tpu.memory_space<hbm>>) dst(%arg7 : memref<64xi32, #tpu.memory_space<vmem>>)
      tpu.yield
    }) : () -> ()
    %dma_start3A = arith.constant 0 : i32
    %dma_start3A_3 = arith.constant 0 : i32
    %dma_start3A_4 = tpu.memref_slice %arg2[%dma_start3A, %dma_start3A_3] : memref<3072x1024xf32, #tpu.memory_space<hbm>> -> memref<3072x1024xf32, #tpu.memory_space<hbm>>
    tpu.enqueue_indirect_dma source(%dma_start3A_4 : memref<3072x1024xf32, #tpu.memory_space<hbm>>) target(%arg8 : memref<64x1024xf32, #tpu.memory_space<vmem>>) offsets(%arg6 : memref<64xi32, #tpu.memory_space<vmem>>) semaphore(%arg9 : memref<!tpu.dma_semaphore, #tpu.memory_space<semaphore_mem>>)
    %dma_wait3A = arith.constant 0 : i32
    %dma_wait3A_5 = arith.constant 0 : i32
    %dma_wait3A_6 = tpu.memref_slice %arg2[%dma_wait3A, %dma_wait3A_5] : memref<3072x1024xf32, #tpu.memory_space<hbm>> -> memref<3072x1024xf32, #tpu.memory_space<hbm>>
    tpu.wait_indirect_dma semaphore(%arg9 : memref<!tpu.dma_semaphore, #tpu.memory_space<semaphore_mem>>) src(%dma_wait3A_6 : memref<3072x1024xf32, #tpu.memory_space<hbm>>) dst(%arg8 : memref<64x1024xf32, #tpu.memory_space<vmem>>)
    %dma_start3A_7 = arith.constant 0 : i32
    %dma_start3A_8 = arith.constant 0 : i32
    %dma_start3A_9 = tpu.memref_slice %arg5[%dma_start3A_7, %dma_start3A_8] : memref<3072x1024xf32, #tpu.memory_space<hbm>> -> memref<3072x1024xf32, #tpu.memory_space<hbm>>
    tpu.enqueue_indirect_dma source(%arg8 : memref<64x1024xf32, #tpu.memory_space<vmem>>) target(%dma_start3A_9 : memref<3072x1024xf32, #tpu.memory_space<hbm>>) offsets(%arg7 : memref<64xi32, #tpu.memory_space<vmem>>) semaphore(%arg9 : memref<!tpu.dma_semaphore, #tpu.memory_space<semaphore_mem>>)
    %dma_wait3A_10 = arith.constant 0 : i32
    %dma_wait3A_11 = arith.constant 0 : i32
    %dma_wait3A_12 = tpu.memref_slice %arg5[%dma_wait3A_10, %dma_wait3A_11] : memref<3072x1024xf32, #tpu.memory_space<hbm>> -> memref<3072x1024xf32, #tpu.memory_space<hbm>>
    tpu.wait_indirect_dma semaphore(%arg9 : memref<!tpu.dma_semaphore, #tpu.memory_space<semaphore_mem>>) src(%arg8 : memref<64x1024xf32, #tpu.memory_space<vmem>>) dst(%dma_wait3A_12 : memref<3072x1024xf32, #tpu.memory_space<hbm>>)
    return
  }
}

#map = affine_map<(d0, d1) -> (0, 0)>
#map1 = affine_map<(d0, d1) -> (0)>
module attributes {stable_mosaic.version = 14 : i64} {
  func.func @perm_k(%arg0: i32, %arg1: i32, %arg2: memref<2048x1024xf32, #tpu.memory_space<hbm>>, %arg3: memref<2048xi32, #tpu.memory_space<hbm>>, %arg4: memref<3072x1024xf32, #tpu.memory_space<hbm>>, %arg5: memref<64xi32, #tpu.memory_space<vmem>>, %arg6: memref<64x1024xf32, #tpu.memory_space<vmem>>, %arg7: memref<!tpu.dma_semaphore, #tpu.memory_space<semaphore_mem>>) attributes {dimension_semantics = [#tpu.dimension_semantics<core_parallel>, #tpu.dimension_semantics<subcore_parallel>], iteration_bounds = array<i64: 2, 16>, scalar_prefetch = 0 : i64, scratch_operands = 3 : i64, tpu.core_type = #tpu.core_type<sc_vector_subcore>, window_params = [{transform_indices = #map}, {transform_indices = #map1}, {transform_indices = #map}]} {
    %mul3A = arith.constant 2 : i32
    %mul3A_0 = arith.muli %arg1, %mul3A : i32
    %add3A = arith.addi %mul3A_0, %arg0 : i32
    %mul3A_1 = arith.constant 64 : i32
    %mul3A_2 = arith.muli %add3A, %mul3A_1 : i32
    "tpu.region"() ({
      %run_scoped3A = tpu.sem_alloc : memref<!tpu.dma_semaphore, #tpu.memory_space<semaphore_mem>>
      %dma_start3A_7 = tpu.memref_slice %arg3[%mul3A_2] : memref<2048xi32, #tpu.memory_space<hbm>> -> memref<64xi32, #tpu.memory_space<hbm>>
      %dma_start3A_8 = tpu.memref_slice %arg3[%mul3A_2] : memref<2048xi32, #tpu.memory_space<hbm>> -> memref<64xi32, #tpu.memory_space<hbm>>
      tpu.enqueue_dma source(%dma_start3A_8 : memref<64xi32, #tpu.memory_space<hbm>>) target(%arg5 : memref<64xi32, #tpu.memory_space<vmem>>) target_semaphore(%run_scoped3A : memref<!tpu.dma_semaphore, #tpu.memory_space<semaphore_mem>>)
      %dma_wait3A_9 = tpu.memref_slice %arg3[%mul3A_2] : memref<2048xi32, #tpu.memory_space<hbm>> -> memref<64xi32, #tpu.memory_space<hbm>>
      %dma_wait3A_10 = tpu.memref_slice %arg3[%mul3A_2] : memref<2048xi32, #tpu.memory_space<hbm>> -> memref<64xi32, #tpu.memory_space<hbm>>
      tpu.wait_dma2 semaphore(%run_scoped3A : memref<!tpu.dma_semaphore, #tpu.memory_space<semaphore_mem>>) src(%dma_wait3A_10 : memref<64xi32, #tpu.memory_space<hbm>>) dst(%arg5 : memref<64xi32, #tpu.memory_space<vmem>>)
      tpu.yield
    }) : () -> ()
    "tpu.region"() ({
      %run_scoped3A = tpu.sem_alloc : memref<!tpu.dma_semaphore, #tpu.memory_space<semaphore_mem>>
      %dma_start3A_7 = arith.constant 0 : i32
      %dma_start3A_8 = tpu.memref_slice %arg2[%mul3A_2, %dma_start3A_7] : memref<2048x1024xf32, #tpu.memory_space<hbm>> -> memref<64x1024xf32, #tpu.memory_space<hbm>>
      %dma_start3A_9 = arith.constant 0 : i32
      %dma_start3A_10 = tpu.memref_slice %arg2[%mul3A_2, %dma_start3A_9] : memref<2048x1024xf32, #tpu.memory_space<hbm>> -> memref<64x1024xf32, #tpu.memory_space<hbm>>
      tpu.enqueue_dma source(%dma_start3A_10 : memref<64x1024xf32, #tpu.memory_space<hbm>>) target(%arg6 : memref<64x1024xf32, #tpu.memory_space<vmem>>) target_semaphore(%run_scoped3A : memref<!tpu.dma_semaphore, #tpu.memory_space<semaphore_mem>>)
      %dma_wait3A_11 = arith.constant 0 : i32
      %dma_wait3A_12 = tpu.memref_slice %arg2[%mul3A_2, %dma_wait3A_11] : memref<2048x1024xf32, #tpu.memory_space<hbm>> -> memref<64x1024xf32, #tpu.memory_space<hbm>>
      %dma_wait3A_13 = arith.constant 0 : i32
      %dma_wait3A_14 = tpu.memref_slice %arg2[%mul3A_2, %dma_wait3A_13] : memref<2048x1024xf32, #tpu.memory_space<hbm>> -> memref<64x1024xf32, #tpu.memory_space<hbm>>
      tpu.wait_dma2 semaphore(%run_scoped3A : memref<!tpu.dma_semaphore, #tpu.memory_space<semaphore_mem>>) src(%dma_wait3A_14 : memref<64x1024xf32, #tpu.memory_space<hbm>>) dst(%arg6 : memref<64x1024xf32, #tpu.memory_space<vmem>>)
      tpu.yield
    }) : () -> ()
    %dma_start3A = arith.constant 0 : i32
    %dma_start3A_3 = arith.constant 0 : i32
    %dma_start3A_4 = tpu.memref_slice %arg4[%dma_start3A, %dma_start3A_3] : memref<3072x1024xf32, #tpu.memory_space<hbm>> -> memref<3072x1024xf32, #tpu.memory_space<hbm>>
    tpu.enqueue_indirect_dma source(%arg6 : memref<64x1024xf32, #tpu.memory_space<vmem>>) target(%dma_start3A_4 : memref<3072x1024xf32, #tpu.memory_space<hbm>>) offsets(%arg5 : memref<64xi32, #tpu.memory_space<vmem>>) semaphore(%arg7 : memref<!tpu.dma_semaphore, #tpu.memory_space<semaphore_mem>>)
    %dma_wait3A = arith.constant 0 : i32
    %dma_wait3A_5 = arith.constant 0 : i32
    %dma_wait3A_6 = tpu.memref_slice %arg4[%dma_wait3A, %dma_wait3A_5] : memref<3072x1024xf32, #tpu.memory_space<hbm>> -> memref<3072x1024xf32, #tpu.memory_space<hbm>>
    tpu.wait_indirect_dma semaphore(%arg7 : memref<!tpu.dma_semaphore, #tpu.memory_space<semaphore_mem>>) src(%arg6 : memref<64x1024xf32, #tpu.memory_space<vmem>>) dst(%dma_wait3A_6 : memref<3072x1024xf32, #tpu.memory_space<hbm>>)
    return
  }
}

#map = affine_map<(d0, d1) -> (0, 0)>
#map1 = affine_map<(d0, d1) -> (0)>
module attributes {stable_mosaic.version = 14 : i64} {
  func.func @perm_k(%arg0: i32, %arg1: i32, %arg2: memref<3072x1024xf32, #tpu.memory_space<hbm>>, %arg3: memref<2048xi32, #tpu.memory_space<hbm>>, %arg4: memref<2048x1024xf32, #tpu.memory_space<hbm>>, %arg5: memref<64xi32, #tpu.memory_space<vmem>>, %arg6: memref<64x1024xf32, #tpu.memory_space<vmem>>, %arg7: memref<!tpu.dma_semaphore, #tpu.memory_space<semaphore_mem>>) attributes {dimension_semantics = [#tpu.dimension_semantics<core_parallel>, #tpu.dimension_semantics<subcore_parallel>], iteration_bounds = array<i64: 2, 16>, scalar_prefetch = 0 : i64, scratch_operands = 3 : i64, tpu.core_type = #tpu.core_type<sc_vector_subcore>, window_params = [{transform_indices = #map}, {transform_indices = #map1}, {transform_indices = #map}]} {
    %mul3A = arith.constant 2 : i32
    %mul3A_0 = arith.muli %arg1, %mul3A : i32
    %add3A = arith.addi %mul3A_0, %arg0 : i32
    %mul3A_1 = arith.constant 64 : i32
    %mul3A_2 = arith.muli %add3A, %mul3A_1 : i32
    "tpu.region"() ({
      %run_scoped3A = tpu.sem_alloc : memref<!tpu.dma_semaphore, #tpu.memory_space<semaphore_mem>>
      %dma_start3A_7 = tpu.memref_slice %arg3[%mul3A_2] : memref<2048xi32, #tpu.memory_space<hbm>> -> memref<64xi32, #tpu.memory_space<hbm>>
      %dma_start3A_8 = tpu.memref_slice %arg3[%mul3A_2] : memref<2048xi32, #tpu.memory_space<hbm>> -> memref<64xi32, #tpu.memory_space<hbm>>
      tpu.enqueue_dma source(%dma_start3A_8 : memref<64xi32, #tpu.memory_space<hbm>>) target(%arg5 : memref<64xi32, #tpu.memory_space<vmem>>) target_semaphore(%run_scoped3A : memref<!tpu.dma_semaphore, #tpu.memory_space<semaphore_mem>>)
      %dma_wait3A_9 = tpu.memref_slice %arg3[%mul3A_2] : memref<2048xi32, #tpu.memory_space<hbm>> -> memref<64xi32, #tpu.memory_space<hbm>>
      %dma_wait3A_10 = tpu.memref_slice %arg3[%mul3A_2] : memref<2048xi32, #tpu.memory_space<hbm>> -> memref<64xi32, #tpu.memory_space<hbm>>
      tpu.wait_dma2 semaphore(%run_scoped3A : memref<!tpu.dma_semaphore, #tpu.memory_space<semaphore_mem>>) src(%dma_wait3A_10 : memref<64xi32, #tpu.memory_space<hbm>>) dst(%arg5 : memref<64xi32, #tpu.memory_space<vmem>>)
      tpu.yield
    }) : () -> ()
    %dma_start3A = arith.constant 0 : i32
    %dma_start3A_3 = arith.constant 0 : i32
    %dma_start3A_4 = tpu.memref_slice %arg2[%dma_start3A, %dma_start3A_3] : memref<3072x1024xf32, #tpu.memory_space<hbm>> -> memref<3072x1024xf32, #tpu.memory_space<hbm>>
    tpu.enqueue_indirect_dma source(%dma_start3A_4 : memref<3072x1024xf32, #tpu.memory_space<hbm>>) target(%arg6 : memref<64x1024xf32, #tpu.memory_space<vmem>>) offsets(%arg5 : memref<64xi32, #tpu.memory_space<vmem>>) semaphore(%arg7 : memref<!tpu.dma_semaphore, #tpu.memory_space<semaphore_mem>>)
    %dma_wait3A = arith.constant 0 : i32
    %dma_wait3A_5 = arith.constant 0 : i32
    %dma_wait3A_6 = tpu.memref_slice %arg2[%dma_wait3A, %dma_wait3A_5] : memref<3072x1024xf32, #tpu.memory_space<hbm>> -> memref<3072x1024xf32, #tpu.memory_space<hbm>>
    tpu.wait_indirect_dma semaphore(%arg7 : memref<!tpu.dma_semaphore, #tpu.memory_space<semaphore_mem>>) src(%dma_wait3A_6 : memref<3072x1024xf32, #tpu.memory_space<hbm>>) dst(%arg6 : memref<64x1024xf32, #tpu.memory_space<vmem>>)
    "tpu.region"() ({
      %run_scoped3A = tpu.sem_alloc : memref<!tpu.dma_semaphore, #tpu.memory_space<semaphore_mem>>
      %dma_start3A_7 = arith.constant 0 : i32
      %dma_start3A_8 = tpu.memref_slice %arg4[%mul3A_2, %dma_start3A_7] : memref<2048x1024xf32, #tpu.memory_space<hbm>> -> memref<64x1024xf32, #tpu.memory_space<hbm>>
      %dma_start3A_9 = arith.constant 0 : i32
      %dma_start3A_10 = tpu.memref_slice %arg4[%mul3A_2, %dma_start3A_9] : memref<2048x1024xf32, #tpu.memory_space<hbm>> -> memref<64x1024xf32, #tpu.memory_space<hbm>>
      tpu.enqueue_dma source(%arg6 : memref<64x1024xf32, #tpu.memory_space<vmem>>) target(%dma_start3A_10 : memref<64x1024xf32, #tpu.memory_space<hbm>>) target_semaphore(%run_scoped3A : memref<!tpu.dma_semaphore, #tpu.memory_space<semaphore_mem>>)
      %dma_wait3A_11 = arith.constant 0 : i32
      %dma_wait3A_12 = tpu.memref_slice %arg4[%mul3A_2, %dma_wait3A_11] : memref<2048x1024xf32, #tpu.memory_space<hbm>> -> memref<64x1024xf32, #tpu.memory_space<hbm>>
      %dma_wait3A_13 = arith.constant 0 : i32
      %dma_wait3A_14 = tpu.memref_slice %arg4[%mul3A_2, %dma_wait3A_13] : memref<2048x1024xf32, #tpu.memory_space<hbm>> -> memref<64x1024xf32, #tpu.memory_space<hbm>>
      tpu.wait_dma2 semaphore(%run_scoped3A : memref<!tpu.dma_semaphore, #tpu.memory_space<semaphore_mem>>) src(%arg6 : memref<64x1024xf32, #tpu.memory_space<vmem>>) dst(%dma_wait3A_14 : memref<64x1024xf32, #tpu.memory_space<hbm>>)
      tpu.yield
    }) : () -> ()
    return
  }
}

module attributes {stable_mosaic.version = 14 : i64} {
  func.func @body(%arg0: i32, %arg1: memref<256x1024xf32, #tpu.memory_space<vmem>>, %arg2: memref<1024x1024xf32, #tpu.memory_space<vmem>>, %arg3: memref<1x1024xf32, #tpu.memory_space<vmem>>, %arg4: memref<1024x1024xf32, #tpu.memory_space<vmem>>, %arg5: memref<1x1024xf32, #tpu.memory_space<vmem>>, %arg6: memref<1024x8xf32, #tpu.memory_space<vmem>>, %arg7: memref<1x8xf32, #tpu.memory_space<vmem>>, %arg8: memref<256x1024xf32, #tpu.memory_space<vmem>>, %arg9: memref<256x8xf32, #tpu.memory_space<vmem>>) attributes {dimension_semantics = [#tpu.dimension_semantics<arbitrary>], iteration_bounds = array<i64: 8>, scalar_prefetch = 0 : i64, scratch_operands = 0 : i64, tpu.core_type = #tpu.core_type<tc>, window_params = [{transform_indices = @transform_0, window_bounds = array<i64: 256, 1024>}, {pipeline_mode = #tpu.pipeline_mode<synchronous>, transform_indices = @transform_1, window_bounds = array<i64: 1024, 1024>}, {pipeline_mode = #tpu.pipeline_mode<synchronous>, transform_indices = @transform_2, window_bounds = array<i64: 1, 1024>}, {pipeline_mode = #tpu.pipeline_mode<synchronous>, transform_indices = @transform_3, window_bounds = array<i64: 1024, 1024>}, {pipeline_mode = #tpu.pipeline_mode<synchronous>, transform_indices = @transform_4, window_bounds = array<i64: 1, 1024>}, {pipeline_mode = #tpu.pipeline_mode<synchronous>, transform_indices = @transform_5, window_bounds = array<i64: 1024, 8>}, {pipeline_mode = #tpu.pipeline_mode<synchronous>, transform_indices = @transform_6, window_bounds = array<i64: 1, 8>}, {transform_indices = @transform_7, window_bounds = array<i64: 256, 1024>}, {transform_indices = @transform_8, window_bounds = array<i64: 256, 8>}]} {
    %get3A = arith.constant 0 : index
    %get3A_0 = arith.constant 0 : index
    %get3A_1 = vector.load %arg1[%get3A, %get3A_0] : memref<256x1024xf32, #tpu.memory_space<vmem>>, vector<256x1024xf32>
    %get3A_2 = arith.constant 0 : index
    %get3A_3 = arith.constant 0 : index
    %get3A_4 = vector.load %arg2[%get3A_2, %get3A_3] : memref<1024x1024xf32, #tpu.memory_space<vmem>>, vector<1024x1024xf32>
    %dot_general3A = arith.constant dense<0.000000e+00> : vector<256x1024xf32>
    %dot_general3A_5 = tpu.matmul %get3A_1, %get3A_4, %dot_general3A {dimension_numbers = #tpu.dot_dimension_numbers<[1], [0], [0], [1], [0, 0, 1, 1], [], []>, transpose_lhs_hint = false} : vector<256x1024xf32>, vector<1024x1024xf32>, vector<256x1024xf32> -> vector<256x1024xf32>
    %get3A_6 = arith.constant 0 : index
    %get3A_7 = arith.constant 0 : index
    %get3A_8 = vector.load %arg3[%get3A_6, %get3A_7] : memref<1x1024xf32, #tpu.memory_space<vmem>>, vector<1x1024xf32>
    %add3A = vector.broadcast %get3A_8 : vector<1x1024xf32> to vector<256x1024xf32>
    %add3A_9 = arith.addf %dot_general3A_5, %add3A : vector<256x1024xf32>
    %swap3A = arith.constant 0 : index
    %swap3A_10 = arith.constant 0 : index
    %swap3A_11 = vector.load %arg8[%swap3A, %swap3A_10] : memref<256x1024xf32, #tpu.memory_space<vmem>>, vector<256x1024xf32>
    tpu.vector_store %arg8[%swap3A, %swap3A_10], %add3A_9 {strides = array<i32>} : memref<256x1024xf32, #tpu.memory_space<vmem>>, vector<256x1024xf32>,
    %get3A_12 = arith.constant 0 : index
    %get3A_13 = arith.constant 0 : index
    %get3A_14 = vector.load %arg4[%get3A_12, %get3A_13] : memref<1024x1024xf32, #tpu.memory_space<vmem>>, vector<1024x1024xf32>
    %dot_general3A_15 = arith.constant dense<0.000000e+00> : vector<256x1024xf32>
    %dot_general3A_16 = tpu.matmul %add3A_9, %get3A_14, %dot_general3A_15 {dimension_numbers = #tpu.dot_dimension_numbers<[1], [0], [0], [1], [0, 0, 1, 1], [], []>, transpose_lhs_hint = false} : vector<256x1024xf32>, vector<1024x1024xf32>, vector<256x1024xf32> -> vector<256x1024xf32>
    %get3A_17 = arith.constant 0 : index
    %get3A_18 = arith.constant 0 : index
    %get3A_19 = vector.load %arg5[%get3A_17, %get3A_18] : memref<1x1024xf32, #tpu.memory_space<vmem>>, vector<1x1024xf32>
    %add3A_20 = vector.broadcast %get3A_19 : vector<1x1024xf32> to vector<256x1024xf32>
    %add3A_21 = arith.addf %dot_general3A_16, %add3A_20 : vector<256x1024xf32>
    %max3A = arith.constant 0.000000e+00 : f32
    %max3A_22 = vector.broadcast %max3A : f32 to vector<256x1024xf32>
    %max3A_23 = arith.maximumf %add3A_21, %max3A_22 : vector<256x1024xf32>
    %get3A_24 = arith.constant 0 : index
    %get3A_25 = arith.constant 0 : index
    %get3A_26 = vector.load %arg6[%get3A_24, %get3A_25] : memref<1024x8xf32, #tpu.memory_space<vmem>>, vector<1024x8xf32>
    %dot_general3A_27 = arith.constant dense<0.000000e+00> : vector<256x8xf32>
    %dot_general3A_28 = tpu.matmul %max3A_23, %get3A_26, %dot_general3A_27 {dimension_numbers = #tpu.dot_dimension_numbers<[1], [0], [0], [1], [0, 0, 1, 1], [], []>, transpose_lhs_hint = false} : vector<256x1024xf32>, vector<1024x8xf32>, vector<256x8xf32> -> vector<256x8xf32>
    %get3A_29 = arith.constant 0 : index
    %get3A_30 = arith.constant 0 : index
    %get3A_31 = vector.load %arg7[%get3A_29, %get3A_30] : memref<1x8xf32, #tpu.memory_space<vmem>>, vector<1x8xf32>
    %add3A_32 = vector.broadcast %get3A_31 : vector<1x8xf32> to vector<256x8xf32>
    %add3A_33 = arith.addf %dot_general3A_28, %add3A_32 : vector<256x8xf32>
    %swap3A_34 = arith.constant 0 : index
    %swap3A_35 = arith.constant 0 : index
    %swap3A_36 = vector.load %arg9[%swap3A_34, %swap3A_35] : memref<256x8xf32, #tpu.memory_space<vmem>>, vector<256x8xf32>
    tpu.vector_store %arg9[%swap3A_34, %swap3A_35], %add3A_33 {strides = array<i32>} : memref<256x8xf32, #tpu.memory_space<vmem>>, vector<256x8xf32>,
    return
  }
  func.func @transform_0(%arg0: i32) -> (i32, i32) {
    %c0_i32 = arith.constant 0 : i32
    %c0_i32_0 = arith.constant 0 : i32
    return %arg0, %c0_i32 : i32, i32
  }
  func.func @transform_1(%arg0: i32) -> (i32, i32) {
    %c0_i32 = arith.constant 0 : i32
    %c0_i32_0 = arith.constant 0 : i32
    %c0_i32_1 = arith.constant 0 : i32
    return %c0_i32, %c0_i32_0 : i32, i32
  }
  func.func @transform_2(%arg0: i32) -> (i32, i32) {
    %c0_i32 = arith.constant 0 : i32
    %c0_i32_0 = arith.constant 0 : i32
    %c0_i32_1 = arith.constant 0 : i32
    return %c0_i32, %c0_i32_0 : i32, i32
  }
  func.func @transform_3(%arg0: i32) -> (i32, i32) {
    %c0_i32 = arith.constant 0 : i32
    %c0_i32_0 = arith.constant 0 : i32
    %c0_i32_1 = arith.constant 0 : i32
    return %c0_i32, %c0_i32_0 : i32, i32
  }
  func.func @transform_4(%arg0: i32) -> (i32, i32) {
    %c0_i32 = arith.constant 0 : i32
    %c0_i32_0 = arith.constant 0 : i32
    %c0_i32_1 = arith.constant 0 : i32
    return %c0_i32, %c0_i32_0 : i32, i32
  }
  func.func @transform_5(%arg0: i32) -> (i32, i32) {
    %c0_i32 = arith.constant 0 : i32
    %c0_i32_0 = arith.constant 0 : i32
    %c0_i32_1 = arith.constant 0 : i32
    return %c0_i32, %c0_i32_0 : i32, i32
  }
  func.func @transform_6(%arg0: i32) -> (i32, i32) {
    %c0_i32 = arith.constant 0 : i32
    %c0_i32_0 = arith.constant 0 : i32
    %c0_i32_1 = arith.constant 0 : i32
    return %c0_i32, %c0_i32_0 : i32, i32
  }
  func.func @transform_7(%arg0: i32) -> (i32, i32) {
    %c0_i32 = arith.constant 0 : i32
    %c0_i32_0 = arith.constant 0 : i32
    return %arg0, %c0_i32 : i32, i32
  }
  func.func @transform_8(%arg0: i32) -> (i32, i32) {
    %c0_i32 = arith.constant 0 : i32
    %c0_i32_0 = arith.constant 0 : i32
    return %arg0, %c0_i32 : i32, i32
  }
}

module attributes {stable_mosaic.version = 14 : i64} {
  func.func @body(%arg0: memref<2048x8xf32, #tpu.memory_space<vmem>>, %arg1: memref<2048x8xf32, #tpu.memory_space<vmem>>, %arg2: memref<2048x1xi32, #tpu.memory_space<vmem>>, %arg3: memref<24x1xi32, #tpu.memory_space<vmem>>, %arg4: memref<1x1xi32, #tpu.memory_space<vmem>>) attributes {dimension_semantics = [], scalar_prefetch = 0 : i64, scratch_operands = 0 : i64, tpu.core_type = #tpu.core_type<tc>} {
    %get3A = arith.constant 0 : index
    %get3A_0 = arith.constant 0 : index
    %get3A_1 = vector.load %arg0[%get3A, %get3A_0] : memref<2048x8xf32, #tpu.memory_space<vmem>>, vector<2048x8xf32>
    %get3A_2 = arith.constant 0 : index
    %get3A_3 = arith.constant 0 : index
    %get3A_4 = vector.load %arg1[%get3A_2, %get3A_3] : memref<2048x8xf32, #tpu.memory_space<vmem>>, vector<2048x8xf32>
    %add3A = arith.addf %get3A_1, %get3A_4 : vector<2048x8xf32>
    %reduce_max3A = arith.constant dense<0xFF800000> : vector<2048xf32>
    %reduce_max3A_5 = vector.multi_reduction <maximumf>, %add3A, %reduce_max3A [1] : vector<2048x8xf32> to vector<2048xf32>
    %broadcast_in_dim3A = vector.shape_cast %reduce_max3A_5 : vector<2048xf32> to vector<2048x1xf32>
    %iota3A = tpu.iota {dimensions = array<i32: 1>} : vector<2048x8xi32>
    %eq3A = vector.broadcast %broadcast_in_dim3A : vector<2048x1xf32> to vector<2048x8xf32>
    %eq3A_6 = arith.cmpf oeq, %add3A, %eq3A : vector<2048x8xf32>
    %jit3A = arith.constant 8 : i32
    %broadcast_in_dim3A_7 = vector.broadcast %jit3A : i32 to vector<2048x8xi32>
    %select_n3A = arith.select %eq3A_6, %iota3A, %broadcast_in_dim3A_7 : vector<2048x8xi1>, vector<2048x8xi32>
    %reduce_min3A = arith.constant dense<2147483647> : vector<2048xi32>
    %reduce_min3A_8 = vector.multi_reduction <minsi>, %select_n3A, %reduce_min3A [1] : vector<2048x8xi32> to vector<2048xi32>
    %broadcast_in_dim3A_9 = vector.shape_cast %reduce_min3A_8 : vector<2048xi32> to vector<2048x1xi32>
    %eq3A_10 = vector.broadcast %broadcast_in_dim3A_9 : vector<2048x1xi32> to vector<2048x8xi32>
    %eq3A_11 = arith.cmpi eq, %eq3A_10, %iota3A : vector<2048x8xi32>
    %convert_element_type3A = arith.extui %eq3A_11 : vector<2048x8xi1> to vector<2048x8xi32>
    %convert_element_type3A_12 = arith.sitofp %convert_element_type3A : vector<2048x8xi32> to vector<2048x8xf32>
    %iota3A_13 = tpu.iota {dimensions = array<i32: 0>} : vector<128x128xi32>
    %iota3A_14 = tpu.iota {dimensions = array<i32: 1>} : vector<128x128xi32>
    %le3A = arith.cmpi sle, %iota3A_14, %iota3A_13 : vector<128x128xi32>
    %convert_element_type3A_15 = arith.extui %le3A : vector<128x128xi1> to vector<128x128xi32>
    %convert_element_type3A_16 = arith.sitofp %convert_element_type3A_15 : vector<128x128xi32> to vector<128x128xf32>
    %broadcast_in_dim3A_17 = arith.constant 0.000000e+00 : f32
    %broadcast_in_dim3A_18 = vector.broadcast %broadcast_in_dim3A_17 : f32 to vector<1x8xf32>
    %slice3A = vector.extract_strided_slice %convert_element_type3A_12 {offsets = [0, 0], sizes = [128, 8], strides = [1, 1]} : vector<2048x8xf32> to vector<128x8xf32>
    %dot_general3A = arith.constant dense<0.000000e+00> : vector<128x8xf32>
    %dot_general3A_19 = tpu.matmul %convert_element_type3A_16, %slice3A, %dot_general3A {dimension_numbers = #tpu.dot_dimension_numbers<[1], [0], [0], [1], [0, 0, 1, 1], [], []>, transpose_lhs_hint = false} : vector<128x128xf32>, vector<128x8xf32>, vector<128x8xf32> -> vector<128x8xf32>
    %add3A_20 = vector.broadcast %broadcast_in_dim3A_18 : vector<1x8xf32> to vector<128x8xf32>
    %add3A_21 = arith.addf %dot_general3A_19, %add3A_20 : vector<128x8xf32>
    %slice3A_22 = vector.extract_strided_slice %add3A_21 {offsets = [127, 0], sizes = [1, 8], strides = [1, 1]} : vector<128x8xf32> to vector<1x8xf32>
    %slice3A_23 = vector.extract_strided_slice %convert_element_type3A_12 {offsets = [128, 0], sizes = [128, 8], strides = [1, 1]} : vector<2048x8xf32> to vector<128x8xf32>
    %dot_general3A_24 = arith.constant dense<0.000000e+00> : vector<128x8xf32>
    %dot_general3A_25 = tpu.matmul %convert_element_type3A_16, %slice3A_23, %dot_general3A_24 {dimension_numbers = #tpu.dot_dimension_numbers<[1], [0], [0], [1], [0, 0, 1, 1], [], []>, transpose_lhs_hint = false} : vector<128x128xf32>, vector<128x8xf32>, vector<128x8xf32> -> vector<128x8xf32>
    %add3A_26 = vector.broadcast %slice3A_22 : vector<1x8xf32> to vector<128x8xf32>
    %add3A_27 = arith.addf %dot_general3A_25, %add3A_26 : vector<128x8xf32>
    %slice3A_28 = vector.extract_strided_slice %add3A_27 {offsets = [127, 0], sizes = [1, 8], strides = [1, 1]} : vector<128x8xf32> to vector<1x8xf32>
    %slice3A_29 = vector.extract_strided_slice %convert_element_type3A_12 {offsets = [256, 0], sizes = [128, 8], strides = [1, 1]} : vector<2048x8xf32> to vector<128x8xf32>
    %dot_general3A_30 = arith.constant dense<0.000000e+00> : vector<128x8xf32>
    %dot_general3A_31 = tpu.matmul %convert_element_type3A_16, %slice3A_29, %dot_general3A_30 {dimension_numbers = #tpu.dot_dimension_numbers<[1], [0], [0], [1], [0, 0, 1, 1], [], []>, transpose_lhs_hint = false} : vector<128x128xf32>, vector<128x8xf32>, vector<128x8xf32> -> vector<128x8xf32>
    %add3A_32 = vector.broadcast %slice3A_28 : vector<1x8xf32> to vector<128x8xf32>
    %add3A_33 = arith.addf %dot_general3A_31, %add3A_32 : vector<128x8xf32>
    %slice3A_34 = vector.extract_strided_slice %add3A_33 {offsets = [127, 0], sizes = [1, 8], strides = [1, 1]} : vector<128x8xf32> to vector<1x8xf32>
    %slice3A_35 = vector.extract_strided_slice %convert_element_type3A_12 {offsets = [384, 0], sizes = [128, 8], strides = [1, 1]} : vector<2048x8xf32> to vector<128x8xf32>
    %dot_general3A_36 = arith.constant dense<0.000000e+00> : vector<128x8xf32>
    %dot_general3A_37 = tpu.matmul %convert_element_type3A_16, %slice3A_35, %dot_general3A_36 {dimension_numbers = #tpu.dot_dimension_numbers<[1], [0], [0], [1], [0, 0, 1, 1], [], []>, transpose_lhs_hint = false} : vector<128x128xf32>, vector<128x8xf32>, vector<128x8xf32> -> vector<128x8xf32>
    %add3A_38 = vector.broadcast %slice3A_34 : vector<1x8xf32> to vector<128x8xf32>
    %add3A_39 = arith.addf %dot_general3A_37, %add3A_38 : vector<128x8xf32>
    %slice3A_40 = vector.extract_strided_slice %add3A_39 {offsets = [127, 0], sizes = [1, 8], strides = [1, 1]} : vector<128x8xf32> to vector<1x8xf32>
    %slice3A_41 = vector.extract_strided_slice %convert_element_type3A_12 {offsets = [512, 0], sizes = [128, 8], strides = [1, 1]} : vector<2048x8xf32> to vector<128x8xf32>
    %dot_general3A_42 = arith.constant dense<0.000000e+00> : vector<128x8xf32>
    %dot_general3A_43 = tpu.matmul %convert_element_type3A_16, %slice3A_41, %dot_general3A_42 {dimension_numbers = #tpu.dot_dimension_numbers<[1], [0], [0], [1], [0, 0, 1, 1], [], []>, transpose_lhs_hint = false} : vector<128x128xf32>, vector<128x8xf32>, vector<128x8xf32> -> vector<128x8xf32>
    %add3A_44 = vector.broadcast %slice3A_40 : vector<1x8xf32> to vector<128x8xf32>
    %add3A_45 = arith.addf %dot_general3A_43, %add3A_44 : vector<128x8xf32>
    %slice3A_46 = vector.extract_strided_slice %add3A_45 {offsets = [127, 0], sizes = [1, 8], strides = [1, 1]} : vector<128x8xf32> to vector<1x8xf32>
    %slice3A_47 = vector.extract_strided_slice %convert_element_type3A_12 {offsets = [640, 0], sizes = [128, 8], strides = [1, 1]} : vector<2048x8xf32> to vector<128x8xf32>
    %dot_general3A_48 = arith.constant dense<0.000000e+00> : vector<128x8xf32>
    %dot_general3A_49 = tpu.matmul %convert_element_type3A_16, %slice3A_47, %dot_general3A_48 {dimension_numbers = #tpu.dot_dimension_numbers<[1], [0], [0], [1], [0, 0, 1, 1], [], []>, transpose_lhs_hint = false} : vector<128x128xf32>, vector<128x8xf32>, vector<128x8xf32> -> vector<128x8xf32>
    %add3A_50 = vector.broadcast %slice3A_46 : vector<1x8xf32> to vector<128x8xf32>
    %add3A_51 = arith.addf %dot_general3A_49, %add3A_50 : vector<128x8xf32>
    %slice3A_52 = vector.extract_strided_slice %add3A_51 {offsets = [127, 0], sizes = [1, 8], strides = [1, 1]} : vector<128x8xf32> to vector<1x8xf32>
    %slice3A_53 = vector.extract_strided_slice %convert_element_type3A_12 {offsets = [768, 0], sizes = [128, 8], strides = [1, 1]} : vector<2048x8xf32> to vector<128x8xf32>
    %dot_general3A_54 = arith.constant dense<0.000000e+00> : vector<128x8xf32>
    %dot_general3A_55 = tpu.matmul %convert_element_type3A_16, %slice3A_53, %dot_general3A_54 {dimension_numbers = #tpu.dot_dimension_numbers<[1], [0], [0], [1], [0, 0, 1, 1], [], []>, transpose_lhs_hint = false} : vector<128x128xf32>, vector<128x8xf32>, vector<128x8xf32> -> vector<128x8xf32>
    %add3A_56 = vector.broadcast %slice3A_52 : vector<1x8xf32> to vector<128x8xf32>
    %add3A_57 = arith.addf %dot_general3A_55, %add3A_56 : vector<128x8xf32>
    %slice3A_58 = vector.extract_strided_slice %add3A_57 {offsets = [127, 0], sizes = [1, 8], strides = [1, 1]} : vector<128x8xf32> to vector<1x8xf32>
    %slice3A_59 = vector.extract_strided_slice %convert_element_type3A_12 {offsets = [896, 0], sizes = [128, 8], strides = [1, 1]} : vector<2048x8xf32> to vector<128x8xf32>
    %dot_general3A_60 = arith.constant dense<0.000000e+00> : vector<128x8xf32>
    %dot_general3A_61 = tpu.matmul %convert_element_type3A_16, %slice3A_59, %dot_general3A_60 {dimension_numbers = #tpu.dot_dimension_numbers<[1], [0], [0], [1], [0, 0, 1, 1], [], []>, transpose_lhs_hint = false} : vector<128x128xf32>, vector<128x8xf32>, vector<128x8xf32> -> vector<128x8xf32>
    %add3A_62 = vector.broadcast %slice3A_58 : vector<1x8xf32> to vector<128x8xf32>
    %add3A_63 = arith.addf %dot_general3A_61, %add3A_62 : vector<128x8xf32>
    %slice3A_64 = vector.extract_strided_slice %add3A_63 {offsets = [127, 0], sizes = [1, 8], strides = [1, 1]} : vector<128x8xf32> to vector<1x8xf32>
    %slice3A_65 = vector.extract_strided_slice %convert_element_type3A_12 {offsets = [1024, 0], sizes = [128, 8], strides = [1, 1]} : vector<2048x8xf32> to vector<128x8xf32>
    %dot_general3A_66 = arith.constant dense<0.000000e+00> : vector<128x8xf32>
    %dot_general3A_67 = tpu.matmul %convert_element_type3A_16, %slice3A_65, %dot_general3A_66 {dimension_numbers = #tpu.dot_dimension_numbers<[1], [0], [0], [1], [0, 0, 1, 1], [], []>, transpose_lhs_hint = false} : vector<128x128xf32>, vector<128x8xf32>, vector<128x8xf32> -> vector<128x8xf32>
    %add3A_68 = vector.broadcast %slice3A_64 : vector<1x8xf32> to vector<128x8xf32>
    %add3A_69 = arith.addf %dot_general3A_67, %add3A_68 : vector<128x8xf32>
    %slice3A_70 = vector.extract_strided_slice %add3A_69 {offsets = [127, 0], sizes = [1, 8], strides = [1, 1]} : vector<128x8xf32> to vector<1x8xf32>
    %slice3A_71 = vector.extract_strided_slice %convert_element_type3A_12 {offsets = [1152, 0], sizes = [128, 8], strides = [1, 1]} : vector<2048x8xf32> to vector<128x8xf32>
    %dot_general3A_72 = arith.constant dense<0.000000e+00> : vector<128x8xf32>
    %dot_general3A_73 = tpu.matmul %convert_element_type3A_16, %slice3A_71, %dot_general3A_72 {dimension_numbers = #tpu.dot_dimension_numbers<[1], [0], [0], [1], [0, 0, 1, 1], [], []>, transpose_lhs_hint = false} : vector<128x128xf32>, vector<128x8xf32>, vector<128x8xf32> -> vector<128x8xf32>
    %add3A_74 = vector.broadcast %slice3A_70 : vector<1x8xf32> to vector<128x8xf32>
    %add3A_75 = arith.addf %dot_general3A_73, %add3A_74 : vector<128x8xf32>
    %slice3A_76 = vector.extract_strided_slice %add3A_75 {offsets = [127, 0], sizes = [1, 8], strides = [1, 1]} : vector<128x8xf32> to vector<1x8xf32>
    %slice3A_77 = vector.extract_strided_slice %convert_element_type3A_12 {offsets = [1280, 0], sizes = [128, 8], strides = [1, 1]} : vector<2048x8xf32> to vector<128x8xf32>
    %dot_general3A_78 = arith.constant dense<0.000000e+00> : vector<128x8xf32>
    %dot_general3A_79 = tpu.matmul %convert_element_type3A_16, %slice3A_77, %dot_general3A_78 {dimension_numbers = #tpu.dot_dimension_numbers<[1], [0], [0], [1], [0, 0, 1, 1], [], []>, transpose_lhs_hint = false} : vector<128x128xf32>, vector<128x8xf32>, vector<128x8xf32> -> vector<128x8xf32>
    %add3A_80 = vector.broadcast %slice3A_76 : vector<1x8xf32> to vector<128x8xf32>
    %add3A_81 = arith.addf %dot_general3A_79, %add3A_80 : vector<128x8xf32>
    %slice3A_82 = vector.extract_strided_slice %add3A_81 {offsets = [127, 0], sizes = [1, 8], strides = [1, 1]} : vector<128x8xf32> to vector<1x8xf32>
    %slice3A_83 = vector.extract_strided_slice %convert_element_type3A_12 {offsets = [1408, 0], sizes = [128, 8], strides = [1, 1]} : vector<2048x8xf32> to vector<128x8xf32>
    %dot_general3A_84 = arith.constant dense<0.000000e+00> : vector<128x8xf32>
    %dot_general3A_85 = tpu.matmul %convert_element_type3A_16, %slice3A_83, %dot_general3A_84 {dimension_numbers = #tpu.dot_dimension_numbers<[1], [0], [0], [1], [0, 0, 1, 1], [], []>, transpose_lhs_hint = false} : vector<128x128xf32>, vector<128x8xf32>, vector<128x8xf32> -> vector<128x8xf32>
    %add3A_86 = vector.broadcast %slice3A_82 : vector<1x8xf32> to vector<128x8xf32>
    %add3A_87 = arith.addf %dot_general3A_85, %add3A_86 : vector<128x8xf32>
    %slice3A_88 = vector.extract_strided_slice %add3A_87 {offsets = [127, 0], sizes = [1, 8], strides = [1, 1]} : vector<128x8xf32> to vector<1x8xf32>
    %slice3A_89 = vector.extract_strided_slice %convert_element_type3A_12 {offsets = [1536, 0], sizes = [128, 8], strides = [1, 1]} : vector<2048x8xf32> to vector<128x8xf32>
    %dot_general3A_90 = arith.constant dense<0.000000e+00> : vector<128x8xf32>
    %dot_general3A_91 = tpu.matmul %convert_element_type3A_16, %slice3A_89, %dot_general3A_90 {dimension_numbers = #tpu.dot_dimension_numbers<[1], [0], [0], [1], [0, 0, 1, 1], [], []>, transpose_lhs_hint = false} : vector<128x128xf32>, vector<128x8xf32>, vector<128x8xf32> -> vector<128x8xf32>
    %add3A_92 = vector.broadcast %slice3A_88 : vector<1x8xf32> to vector<128x8xf32>
    %add3A_93 = arith.addf %dot_general3A_91, %add3A_92 : vector<128x8xf32>
    %slice3A_94 = vector.extract_strided_slice %add3A_93 {offsets = [127, 0], sizes = [1, 8], strides = [1, 1]} : vector<128x8xf32> to vector<1x8xf32>
    %slice3A_95 = vector.extract_strided_slice %convert_element_type3A_12 {offsets = [1664, 0], sizes = [128, 8], strides = [1, 1]} : vector<2048x8xf32> to vector<128x8xf32>
    %dot_general3A_96 = arith.constant dense<0.000000e+00> : vector<128x8xf32>
    %dot_general3A_97 = tpu.matmul %convert_element_type3A_16, %slice3A_95, %dot_general3A_96 {dimension_numbers = #tpu.dot_dimension_numbers<[1], [0], [0], [1], [0, 0, 1, 1], [], []>, transpose_lhs_hint = false} : vector<128x128xf32>, vector<128x8xf32>, vector<128x8xf32> -> vector<128x8xf32>
    %add3A_98 = vector.broadcast %slice3A_94 : vector<1x8xf32> to vector<128x8xf32>
    %add3A_99 = arith.addf %dot_general3A_97, %add3A_98 : vector<128x8xf32>
    %slice3A_100 = vector.extract_strided_slice %add3A_99 {offsets = [127, 0], sizes = [1, 8], strides = [1, 1]} : vector<128x8xf32> to vector<1x8xf32>
    %slice3A_101 = vector.extract_strided_slice %convert_element_type3A_12 {offsets = [1792, 0], sizes = [128, 8], strides = [1, 1]} : vector<2048x8xf32> to vector<128x8xf32>
    %dot_general3A_102 = arith.constant dense<0.000000e+00> : vector<128x8xf32>
    %dot_general3A_103 = tpu.matmul %convert_element_type3A_16, %slice3A_101, %dot_general3A_102 {dimension_numbers = #tpu.dot_dimension_numbers<[1], [0], [0], [1], [0, 0, 1, 1], [], []>, transpose_lhs_hint = false} : vector<128x128xf32>, vector<128x8xf32>, vector<128x8xf32> -> vector<128x8xf32>
    %add3A_104 = vector.broadcast %slice3A_100 : vector<1x8xf32> to vector<128x8xf32>
    %add3A_105 = arith.addf %dot_general3A_103, %add3A_104 : vector<128x8xf32>
    %slice3A_106 = vector.extract_strided_slice %add3A_105 {offsets = [127, 0], sizes = [1, 8], strides = [1, 1]} : vector<128x8xf32> to vector<1x8xf32>
    %slice3A_107 = vector.extract_strided_slice %convert_element_type3A_12 {offsets = [1920, 0], sizes = [128, 8], strides = [1, 1]} : vector<2048x8xf32> to vector<128x8xf32>
    %dot_general3A_108 = arith.constant dense<0.000000e+00> : vector<128x8xf32>
    %dot_general3A_109 = tpu.matmul %convert_element_type3A_16, %slice3A_107, %dot_general3A_108 {dimension_numbers = #tpu.dot_dimension_numbers<[1], [0], [0], [1], [0, 0, 1, 1], [], []>, transpose_lhs_hint = false} : vector<128x128xf32>, vector<128x8xf32>, vector<128x8xf32> -> vector<128x8xf32>
    %add3A_110 = vector.broadcast %slice3A_106 : vector<1x8xf32> to vector<128x8xf32>
    %add3A_111 = arith.addf %dot_general3A_109, %add3A_110 : vector<128x8xf32>
    %slice3A_112 = vector.extract_strided_slice %add3A_111 {offsets = [127, 0], sizes = [1, 8], strides = [1, 1]} : vector<128x8xf32> to vector<1x8xf32>
    %concatenate3A = tpu.concatenate %add3A_21, %add3A_27, %add3A_33, %add3A_39, %add3A_45, %add3A_51, %add3A_57, %add3A_63, %add3A_69, %add3A_75, %add3A_81, %add3A_87, %add3A_93, %add3A_99, %add3A_105, %add3A_111 in 0 : vector<128x8xf32>, vector<128x8xf32>, vector<128x8xf32>, vector<128x8xf32>, vector<128x8xf32>, vector<128x8xf32>, vector<128x8xf32>, vector<128x8xf32>, vector<128x8xf32>, vector<128x8xf32>, vector<128x8xf32>, vector<128x8xf32>, vector<128x8xf32>, vector<128x8xf32>, vector<128x8xf32>, vector<128x8xf32> -> vector<2048x8xf32>
    %mul3A = arith.mulf %convert_element_type3A_12, %concatenate3A : vector<2048x8xf32>
    %reduce_sum3A = arith.constant dense<0.000000e+00> : vector<2048xf32>
    %reduce_sum3A_113 = vector.multi_reduction <add>, %mul3A, %reduce_sum3A [1] : vector<2048x8xf32> to vector<2048xf32>
    %broadcast_in_dim3A_114 = vector.shape_cast %reduce_sum3A_113 : vector<2048xf32> to vector<2048x1xf32>
    %sub3A = arith.constant 1.000000e+00 : f32
    %sub3A_115 = vector.broadcast %sub3A : f32 to vector<2048x1xf32>
    %sub3A_116 = arith.subf %broadcast_in_dim3A_114, %sub3A_115 : vector<2048x1xf32>
    %add3A_117 = arith.constant 1.270000e+02 : f32
    %add3A_118 = vector.broadcast %add3A_117 : f32 to vector<1x8xf32>
    %add3A_119 = arith.addf %slice3A_112, %add3A_118 : vector<1x8xf32>
    %mul3A_120 = arith.constant 7.812500e-03 : f32
    %mul3A_121 = vector.broadcast %mul3A_120 : f32 to vector<1x8xf32>
    %mul3A_122 = arith.mulf %add3A_119, %mul3A_121 : vector<1x8xf32>
    %floor3A = math.floor %mul3A_122 : vector<1x8xf32>
    %iota3A_123 = tpu.iota {dimensions = array<i32: 0>} : vector<8x8xi32>
    %iota3A_124 = tpu.iota {dimensions = array<i32: 1>} : vector<8x8xi32>
    %le3A_125 = arith.cmpi sle, %iota3A_123, %iota3A_124 : vector<8x8xi32>
    %convert_element_type3A_126 = arith.extui %le3A_125 : vector<8x8xi1> to vector<8x8xi32>
    %convert_element_type3A_127 = arith.sitofp %convert_element_type3A_126 : vector<8x8xi32> to vector<8x8xf32>
    %dot_general3A_128 = arith.constant dense<0.000000e+00> : vector<1x8xf32>
    %dot_general3A_129 = tpu.matmul %floor3A, %convert_element_type3A_127, %dot_general3A_128 {dimension_numbers = #tpu.dot_dimension_numbers<[1], [0], [0], [1], [0, 0, 1, 1], [], []>, transpose_lhs_hint = false} : vector<1x8xf32>, vector<8x8xf32>, vector<1x8xf32> -> vector<1x8xf32>
    %slice3A_130 = vector.extract_strided_slice %dot_general3A_129 {offsets = [0, 7], sizes = [1, 1], strides = [1, 1]} : vector<1x8xf32> to vector<1x1xf32>
    %sub3A_131 = arith.subf %dot_general3A_129, %floor3A : vector<1x8xf32>
    %mul3A_132 = arith.constant 1.280000e+02 : f32
    %mul3A_133 = vector.broadcast %mul3A_132 : f32 to vector<1x8xf32>
    %mul3A_134 = arith.mulf %sub3A_131, %mul3A_133 : vector<1x8xf32>
    %mul3A_135 = vector.broadcast %mul3A_134 : vector<1x8xf32> to vector<2048x8xf32>
    %mul3A_136 = arith.mulf %convert_element_type3A_12, %mul3A_135 : vector<2048x8xf32>
    %reduce_sum3A_137 = arith.constant dense<0.000000e+00> : vector<2048xf32>
    %reduce_sum3A_138 = vector.multi_reduction <add>, %mul3A_136, %reduce_sum3A_137 [1] : vector<2048x8xf32> to vector<2048xf32>
    %broadcast_in_dim3A_139 = vector.shape_cast %reduce_sum3A_138 : vector<2048xf32> to vector<2048x1xf32>
    %add3A_140 = arith.addf %broadcast_in_dim3A_139, %sub3A_116 : vector<2048x1xf32>
    %convert_element_type3A_141 = arith.fptosi %add3A_140 : vector<2048x1xf32> to vector<2048x1xi32>
    %swap3A = arith.constant 0 : index
    %swap3A_142 = arith.constant 0 : index
    %swap3A_143 = vector.load %arg2[%swap3A, %swap3A_142] : memref<2048x1xi32, #tpu.memory_space<vmem>>, vector<2048x1xi32>
    tpu.vector_store %arg2[%swap3A, %swap3A_142], %convert_element_type3A_141 {strides = array<i32>} : memref<2048x1xi32, #tpu.memory_space<vmem>>, vector<2048x1xi32>,
    %iota3A_144 = tpu.iota {dimensions = array<i32: 0>} : vector<24x1xi32>
    %convert_element_type3A_145 = arith.sitofp %iota3A_144 : vector<24x1xi32> to vector<24x1xf32>
    %sub3A_146 = arith.constant 1.000000e+00 : f32
    %sub3A_147 = vector.broadcast %sub3A_146 : f32 to vector<1x1xf32>
    %sub3A_148 = arith.subf %slice3A_130, %sub3A_147 : vector<1x1xf32>
    %min3A = vector.broadcast %sub3A_148 : vector<1x1xf32> to vector<24x1xf32>
    %min3A_149 = arith.minimumf %convert_element_type3A_145, %min3A : vector<24x1xf32>
    %le3A_150 = vector.broadcast %dot_general3A_129 : vector<1x8xf32> to vector<24x8xf32>
    %le3A_151 = vector.broadcast %min3A_149 : vector<24x1xf32> to vector<24x8xf32>
    %le3A_152 = arith.cmpf ole, %le3A_150, %le3A_151 : vector<24x8xf32>
    %convert_element_type3A_153 = arith.extui %le3A_152 : vector<24x8xi1> to vector<24x8xi32>
    %reduce_sum3A_154 = arith.constant dense<0> : vector<24xi32>
    %reduce_sum3A_155 = vector.multi_reduction <add>, %convert_element_type3A_153, %reduce_sum3A_154 [1] : vector<24x8xi32> to vector<24xi32>
    %broadcast_in_dim3A_156 = vector.shape_cast %reduce_sum3A_155 : vector<24xi32> to vector<24x1xi32>
    %swap3A_157 = arith.constant 0 : index
    %swap3A_158 = arith.constant 0 : index
    %swap3A_159 = vector.load %arg3[%swap3A_157, %swap3A_158] : memref<24x1xi32, #tpu.memory_space<vmem>>, vector<24x1xi32>
    tpu.vector_store %arg3[%swap3A_157, %swap3A_158], %broadcast_in_dim3A_156 {strides = array<i32>} : memref<24x1xi32, #tpu.memory_space<vmem>>, vector<24x1xi32>,
    %convert_element_type3A_160 = arith.fptosi %slice3A_130 : vector<1x1xf32> to vector<1x1xi32>
    %swap3A_161 = arith.constant 0 : index
    %swap3A_162 = arith.constant 0 : index
    %swap3A_163 = vector.load %arg4[%swap3A_161, %swap3A_162] : memref<1x1xi32, #tpu.memory_space<vmem>>, vector<1x1xi32>
    tpu.vector_store %arg4[%swap3A_161, %swap3A_162], %convert_element_type3A_160 {strides = array<i32>} : memref<1x1xi32, #tpu.memory_space<vmem>>, vector<1x1xi32>,
    return
  }
}

module attributes {stable_mosaic.version = 14 : i64} {
  func.func @body(%arg0: i32, %arg1: memref<24xi32, #tpu.memory_space<smem>>, %arg2: memref<1xi32, #tpu.memory_space<smem>>, %arg3: memref<128x1024xf32, #tpu.memory_space<vmem>>, %arg4: memref<1x1024x1024xf32, #tpu.memory_space<vmem>>, %arg5: memref<1x1x1024xf32, #tpu.memory_space<vmem>>, %arg6: memref<1x1024x1024xf32, #tpu.memory_space<vmem>>, %arg7: memref<1x1x1024xf32, #tpu.memory_space<vmem>>, %arg8: memref<1x1024x1024xf32, #tpu.memory_space<vmem>>, %arg9: memref<1x1x1024xf32, #tpu.memory_space<vmem>>, %arg10: memref<1x1024x8xf32, #tpu.memory_space<vmem>>, %arg11: memref<1x1x8xf32, #tpu.memory_space<vmem>>, %arg12: memref<128x1024xf32, #tpu.memory_space<vmem>>, %arg13: memref<128x128xf32, #tpu.memory_space<vmem>>) attributes {dimension_semantics = [#tpu.dimension_semantics<arbitrary>], iteration_bounds = array<i64: 24>, scalar_prefetch = 2 : i64, scratch_operands = 0 : i64, tpu.core_type = #tpu.core_type<tc>, window_params = [{transform_indices = @transform_0, window_bounds = array<i64: 128, 1024>}, {transform_indices = @transform_1, window_bounds = array<i64: 1, 1024, 1024>}, {transform_indices = @transform_2, window_bounds = array<i64: 1, 1, 1024>}, {transform_indices = @transform_3, window_bounds = array<i64: 1, 1024, 1024>}, {transform_indices = @transform_4, window_bounds = array<i64: 1, 1, 1024>}, {transform_indices = @transform_5, window_bounds = array<i64: 1, 1024, 1024>}, {transform_indices = @transform_6, window_bounds = array<i64: 1, 1, 1024>}, {transform_indices = @transform_7, window_bounds = array<i64: 1, 1024, 8>}, {transform_indices = @transform_8, window_bounds = array<i64: 1, 1, 8>}, {transform_indices = @transform_9, window_bounds = array<i64: 128, 1024>}, {transform_indices = @transform_10, window_bounds = array<i64: 128, 128>}]} {
    %get3A = arith.constant 0 : index
    %get3A_0 = memref.load %arg2[%get3A] : memref<1xi32, #tpu.memory_space<smem>>
    %lt3A = arith.cmpi slt, %arg0, %get3A_0 : i32
    %convert_element_type3A = arith.extui %lt3A : i1 to i32
    %cond3A = arith.constant 0 : i32
    %cond3A_1 = arith.cmpi ne, %convert_element_type3A, %cond3A : i32
    scf.if %cond3A_1 {
      %get3A_2 = arith.constant 0 : index
      %get3A_3 = arith.constant 0 : index
      %get3A_4 = vector.load %arg3[%get3A_2, %get3A_3] : memref<128x1024xf32, #tpu.memory_space<vmem>>, vector<128x1024xf32>
      %mul3A = arith.mulf %get3A_4, %get3A_4 : vector<128x1024xf32>
      %reduce_sum3A = arith.constant dense<0.000000e+00> : vector<128xf32>
      %reduce_sum3A_5 = vector.multi_reduction <add>, %mul3A, %reduce_sum3A [1] : vector<128x1024xf32> to vector<128xf32>
      %broadcast_in_dim3A = vector.shape_cast %reduce_sum3A_5 : vector<128xf32> to vector<128x1xf32>
      %sqrt3A = math.sqrt %broadcast_in_dim3A : vector<128x1xf32>
      %get3A_6 = arith.constant 0 : index
      %get3A_7 = arith.constant 0 : index
      %get3A_8 = arith.constant 0 : index
      %get3A_9 = vector.load %arg4[%get3A_6, %get3A_7, %get3A_8] : memref<1x1024x1024xf32, #tpu.memory_space<vmem>>, vector<1x1024x1024xf32>
      %get3A_10 = vector.shape_cast %get3A_9 : vector<1x1024x1024xf32> to vector<1024x1024xf32>
      %dot_general3A = arith.constant dense<0.000000e+00> : vector<128x1024xf32>
      %dot_general3A_11 = tpu.matmul %get3A_4, %get3A_10, %dot_general3A {dimension_numbers = #tpu.dot_dimension_numbers<[1], [0], [0], [1], [0, 0, 1, 1], [], []>, transpose_lhs_hint = false} : vector<128x1024xf32>, vector<1024x1024xf32>, vector<128x1024xf32> -> vector<128x1024xf32>
      %get3A_12 = arith.constant 0 : index
      %get3A_13 = arith.constant 0 : index
      %get3A_14 = arith.constant 0 : index
      %get3A_15 = vector.load %arg5[%get3A_12, %get3A_13, %get3A_14] : memref<1x1x1024xf32, #tpu.memory_space<vmem>>, vector<1x1x1024xf32>
      %get3A_16 = vector.shape_cast %get3A_15 : vector<1x1x1024xf32> to vector<1x1024xf32>
      %add3A = vector.broadcast %get3A_16 : vector<1x1024xf32> to vector<128x1024xf32>
      %add3A_17 = arith.addf %dot_general3A_11, %add3A : vector<128x1024xf32>
      %max3A = arith.constant 0.000000e+00 : f32
      %max3A_18 = vector.broadcast %max3A : f32 to vector<128x1024xf32>
      %max3A_19 = arith.maximumf %add3A_17, %max3A_18 : vector<128x1024xf32>
      %get3A_20 = arith.constant 0 : index
      %get3A_21 = arith.constant 0 : index
      %get3A_22 = arith.constant 0 : index
      %get3A_23 = vector.load %arg6[%get3A_20, %get3A_21, %get3A_22] : memref<1x1024x1024xf32, #tpu.memory_space<vmem>>, vector<1x1024x1024xf32>
      %get3A_24 = vector.shape_cast %get3A_23 : vector<1x1024x1024xf32> to vector<1024x1024xf32>
      %dot_general3A_25 = arith.constant dense<0.000000e+00> : vector<128x1024xf32>
      %dot_general3A_26 = tpu.matmul %max3A_19, %get3A_24, %dot_general3A_25 {dimension_numbers = #tpu.dot_dimension_numbers<[1], [0], [0], [1], [0, 0, 1, 1], [], []>, transpose_lhs_hint = false} : vector<128x1024xf32>, vector<1024x1024xf32>, vector<128x1024xf32> -> vector<128x1024xf32>
      %get3A_27 = arith.constant 0 : index
      %get3A_28 = arith.constant 0 : index
      %get3A_29 = arith.constant 0 : index
      %get3A_30 = vector.load %arg7[%get3A_27, %get3A_28, %get3A_29] : memref<1x1x1024xf32, #tpu.memory_space<vmem>>, vector<1x1x1024xf32>
      %get3A_31 = vector.shape_cast %get3A_30 : vector<1x1x1024xf32> to vector<1x1024xf32>
      %add3A_32 = vector.broadcast %get3A_31 : vector<1x1024xf32> to vector<128x1024xf32>
      %add3A_33 = arith.addf %dot_general3A_26, %add3A_32 : vector<128x1024xf32>
      %max3A_34 = arith.constant 0.000000e+00 : f32
      %max3A_35 = vector.broadcast %max3A_34 : f32 to vector<128x1024xf32>
      %max3A_36 = arith.maximumf %add3A_33, %max3A_35 : vector<128x1024xf32>
      %add3A_37 = arith.constant 9.99999997E-7 : f32
      %add3A_38 = vector.broadcast %add3A_37 : f32 to vector<128x1xf32>
      %add3A_39 = arith.addf %sqrt3A, %add3A_38 : vector<128x1xf32>
      %div3A = vector.broadcast %add3A_39 : vector<128x1xf32> to vector<128x1024xf32>
      %div3A_40 = arith.divf %max3A_36, %div3A : vector<128x1024xf32>
      %swap3A = arith.constant 0 : index
      %swap3A_41 = arith.constant 0 : index
      %swap3A_42 = vector.load %arg12[%swap3A, %swap3A_41] : memref<128x1024xf32, #tpu.memory_space<vmem>>, vector<128x1024xf32>
      tpu.vector_store %arg12[%swap3A, %swap3A_41], %div3A_40 {strides = array<i32>} : memref<128x1024xf32, #tpu.memory_space<vmem>>, vector<128x1024xf32>,
      %get3A_43 = arith.constant 0 : index
      %get3A_44 = arith.constant 0 : index
      %get3A_45 = arith.constant 0 : index
      %get3A_46 = vector.load %arg8[%get3A_43, %get3A_44, %get3A_45] : memref<1x1024x1024xf32, #tpu.memory_space<vmem>>, vector<1x1024x1024xf32>
      %get3A_47 = vector.shape_cast %get3A_46 : vector<1x1024x1024xf32> to vector<1024x1024xf32>
      %dot_general3A_48 = arith.constant dense<0.000000e+00> : vector<128x1024xf32>
      %dot_general3A_49 = tpu.matmul %div3A_40, %get3A_47, %dot_general3A_48 {dimension_numbers = #tpu.dot_dimension_numbers<[1], [0], [0], [1], [0, 0, 1, 1], [], []>, transpose_lhs_hint = false} : vector<128x1024xf32>, vector<1024x1024xf32>, vector<128x1024xf32> -> vector<128x1024xf32>
      %get3A_50 = arith.constant 0 : index
      %get3A_51 = arith.constant 0 : index
      %get3A_52 = arith.constant 0 : index
      %get3A_53 = vector.load %arg9[%get3A_50, %get3A_51, %get3A_52] : memref<1x1x1024xf32, #tpu.memory_space<vmem>>, vector<1x1x1024xf32>
      %get3A_54 = vector.shape_cast %get3A_53 : vector<1x1x1024xf32> to vector<1x1024xf32>
      %add3A_55 = vector.broadcast %get3A_54 : vector<1x1024xf32> to vector<128x1024xf32>
      %add3A_56 = arith.addf %dot_general3A_49, %add3A_55 : vector<128x1024xf32>
      %max3A_57 = arith.constant 0.000000e+00 : f32
      %max3A_58 = vector.broadcast %max3A_57 : f32 to vector<128x1024xf32>
      %max3A_59 = arith.maximumf %add3A_56, %max3A_58 : vector<128x1024xf32>
      %get3A_60 = arith.constant 0 : index
      %get3A_61 = arith.constant 0 : index
      %get3A_62 = arith.constant 0 : index
      %get3A_63 = vector.load %arg10[%get3A_60, %get3A_61, %get3A_62] : memref<1x1024x8xf32, #tpu.memory_space<vmem>>, vector<1x1024x8xf32>
      %get3A_64 = vector.shape_cast %get3A_63 : vector<1x1024x8xf32> to vector<1024x8xf32>
      %dot_general3A_65 = arith.constant dense<0.000000e+00> : vector<128x8xf32>
      %dot_general3A_66 = tpu.matmul %max3A_59, %get3A_64, %dot_general3A_65 {dimension_numbers = #tpu.dot_dimension_numbers<[1], [0], [0], [1], [0, 0, 1, 1], [], []>, transpose_lhs_hint = false} : vector<128x1024xf32>, vector<1024x8xf32>, vector<128x8xf32> -> vector<128x8xf32>
      %get3A_67 = arith.constant 0 : index
      %get3A_68 = arith.constant 0 : index
      %get3A_69 = arith.constant 0 : index
      %get3A_70 = vector.load %arg11[%get3A_67, %get3A_68, %get3A_69] : memref<1x1x8xf32, #tpu.memory_space<vmem>>, vector<1x1x8xf32>
      %get3A_71 = vector.shape_cast %get3A_70 : vector<1x1x8xf32> to vector<1x8xf32>
      %add3A_72 = vector.broadcast %get3A_71 : vector<1x8xf32> to vector<128x8xf32>
      %add3A_73 = arith.addf %dot_general3A_66, %add3A_72 : vector<128x8xf32>
      %broadcast_in_dim3A_74 = arith.constant -1.000000e+09 : f32
      %broadcast_in_dim3A_75 = vector.broadcast %broadcast_in_dim3A_74 : f32 to vector<128x120xf32>
      %concatenate3A = tpu.concatenate %add3A_73, %broadcast_in_dim3A_75 in 1 : vector<128x8xf32>, vector<128x120xf32> -> vector<128x128xf32>
      %swap3A_76 = arith.constant 0 : index
      %swap3A_77 = arith.constant 0 : index
      %swap3A_78 = vector.load %arg13[%swap3A_76, %swap3A_77] : memref<128x128xf32, #tpu.memory_space<vmem>>, vector<128x128xf32>
      tpu.vector_store %arg13[%swap3A_76, %swap3A_77], %concatenate3A {strides = array<i32>} : memref<128x128xf32, #tpu.memory_space<vmem>>, vector<128x128xf32>,
    } else {
    }
    return
  }
  func.func @transform_0(%arg0: i32, %arg1: memref<24xi32, #tpu.memory_space<smem>>, %arg2: memref<1xi32, #tpu.memory_space<smem>>) -> (i32, i32) {
    %get3A = arith.constant 0 : index
    %get3A_0 = memref.load %arg2[%get3A] : memref<1xi32, #tpu.memory_space<smem>>
    %sub3A = arith.constant 1 : i32
    %sub3A_1 = arith.subi %get3A_0, %sub3A : i32
    %min3A = arith.minsi %arg0, %sub3A_1 : i32
    %c0_i32 = arith.constant 0 : i32
    %c0_i32_2 = arith.constant 0 : i32
    return %min3A, %c0_i32 : i32, i32
  }
  func.func @transform_1(%arg0: i32, %arg1: memref<24xi32, #tpu.memory_space<smem>>, %arg2: memref<1xi32, #tpu.memory_space<smem>>) -> (i32, i32, i32) {
    %get3A = arith.index_cast %arg0 : i32 to index
    %get3A_0 = memref.load %arg1[%get3A] : memref<24xi32, #tpu.memory_space<smem>>
    %c0_i32 = arith.constant 0 : i32
    %c0_i32_1 = arith.constant 0 : i32
    %c0_i32_2 = arith.constant 0 : i32
    return %get3A_0, %c0_i32, %c0_i32_1 : i32, i32, i32
  }
  func.func @transform_2(%arg0: i32, %arg1: memref<24xi32, #tpu.memory_space<smem>>, %arg2: memref<1xi32, #tpu.memory_space<smem>>) -> (i32, i32, i32) {
    %get3A = arith.index_cast %arg0 : i32 to index
    %get3A_0 = memref.load %arg1[%get3A] : memref<24xi32, #tpu.memory_space<smem>>
    %c0_i32 = arith.constant 0 : i32
    %c0_i32_1 = arith.constant 0 : i32
    %c0_i32_2 = arith.constant 0 : i32
    return %get3A_0, %c0_i32, %c0_i32_1 : i32, i32, i32
  }
  func.func @transform_3(%arg0: i32, %arg1: memref<24xi32, #tpu.memory_space<smem>>, %arg2: memref<1xi32, #tpu.memory_space<smem>>) -> (i32, i32, i32) {
    %get3A = arith.index_cast %arg0 : i32 to index
    %get3A_0 = memref.load %arg1[%get3A] : memref<24xi32, #tpu.memory_space<smem>>
    %c0_i32 = arith.constant 0 : i32
    %c0_i32_1 = arith.constant 0 : i32
    %c0_i32_2 = arith.constant 0 : i32
    return %get3A_0, %c0_i32, %c0_i32_1 : i32, i32, i32
  }
  func.func @transform_4(%arg0: i32, %arg1: memref<24xi32, #tpu.memory_space<smem>>, %arg2: memref<1xi32, #tpu.memory_space<smem>>) -> (i32, i32, i32) {
    %get3A = arith.index_cast %arg0 : i32 to index
    %get3A_0 = memref.load %arg1[%get3A] : memref<24xi32, #tpu.memory_space<smem>>
    %c0_i32 = arith.constant 0 : i32
    %c0_i32_1 = arith.constant 0 : i32
    %c0_i32_2 = arith.constant 0 : i32
    return %get3A_0, %c0_i32, %c0_i32_1 : i32, i32, i32
  }
  func.func @transform_5(%arg0: i32, %arg1: memref<24xi32, #tpu.memory_space<smem>>, %arg2: memref<1xi32, #tpu.memory_space<smem>>) -> (i32, i32, i32) {
    %get3A = arith.index_cast %arg0 : i32 to index
    %get3A_0 = memref.load %arg1[%get3A] : memref<24xi32, #tpu.memory_space<smem>>
    %c0_i32 = arith.constant 0 : i32
    %c0_i32_1 = arith.constant 0 : i32
    %c0_i32_2 = arith.constant 0 : i32
    return %get3A_0, %c0_i32, %c0_i32_1 : i32, i32, i32
  }
  func.func @transform_6(%arg0: i32, %arg1: memref<24xi32, #tpu.memory_space<smem>>, %arg2: memref<1xi32, #tpu.memory_space<smem>>) -> (i32, i32, i32) {
    %get3A = arith.index_cast %arg0 : i32 to index
    %get3A_0 = memref.load %arg1[%get3A] : memref<24xi32, #tpu.memory_space<smem>>
    %c0_i32 = arith.constant 0 : i32
    %c0_i32_1 = arith.constant 0 : i32
    %c0_i32_2 = arith.constant 0 : i32
    return %get3A_0, %c0_i32, %c0_i32_1 : i32, i32, i32
  }
  func.func @transform_7(%arg0: i32, %arg1: memref<24xi32, #tpu.memory_space<smem>>, %arg2: memref<1xi32, #tpu.memory_space<smem>>) -> (i32, i32, i32) {
    %get3A = arith.index_cast %arg0 : i32 to index
    %get3A_0 = memref.load %arg1[%get3A] : memref<24xi32, #tpu.memory_space<smem>>
    %c0_i32 = arith.constant 0 : i32
    %c0_i32_1 = arith.constant 0 : i32
    %c0_i32_2 = arith.constant 0 : i32
    return %get3A_0, %c0_i32, %c0_i32_1 : i32, i32, i32
  }
  func.func @transform_8(%arg0: i32, %arg1: memref<24xi32, #tpu.memory_space<smem>>, %arg2: memref<1xi32, #tpu.memory_space<smem>>) -> (i32, i32, i32) {
    %get3A = arith.index_cast %arg0 : i32 to index
    %get3A_0 = memref.load %arg1[%get3A] : memref<24xi32, #tpu.memory_space<smem>>
    %c0_i32 = arith.constant 0 : i32
    %c0_i32_1 = arith.constant 0 : i32
    %c0_i32_2 = arith.constant 0 : i32
    return %get3A_0, %c0_i32, %c0_i32_1 : i32, i32, i32
  }
  func.func @transform_9(%arg0: i32, %arg1: memref<24xi32, #tpu.memory_space<smem>>, %arg2: memref<1xi32, #tpu.memory_space<smem>>) -> (i32, i32) {
    %get3A = arith.constant 0 : index
    %get3A_0 = memref.load %arg2[%get3A] : memref<1xi32, #tpu.memory_space<smem>>
    %sub3A = arith.constant 1 : i32
    %sub3A_1 = arith.subi %get3A_0, %sub3A : i32
    %min3A = arith.minsi %arg0, %sub3A_1 : i32
    %c0_i32 = arith.constant 0 : i32
    %c0_i32_2 = arith.constant 0 : i32
    return %min3A, %c0_i32 : i32, i32
  }
  func.func @transform_10(%arg0: i32, %arg1: memref<24xi32, #tpu.memory_space<smem>>, %arg2: memref<1xi32, #tpu.memory_space<smem>>) -> (i32, i32) {
    %get3A = arith.constant 0 : index
    %get3A_0 = memref.load %arg2[%get3A] : memref<1xi32, #tpu.memory_space<smem>>
    %sub3A = arith.constant 1 : i32
    %sub3A_1 = arith.subi %get3A_0, %sub3A : i32
    %min3A = arith.minsi %arg0, %sub3A_1 : i32
    %c0_i32 = arith.constant 0 : i32
    %c0_i32_2 = arith.constant 0 : i32
    return %min3A, %c0_i32 : i32, i32
  }
}

module attributes {stable_mosaic.version = 14 : i64} {
  func.func @body(%arg0: memref<2048x128xf32, #tpu.memory_space<vmem>>, %arg1: memref<2048x8xf32, #tpu.memory_space<vmem>>, %arg2: memref<2048x1xi32, #tpu.memory_space<vmem>>, %arg3: memref<24x1xi32, #tpu.memory_space<vmem>>, %arg4: memref<1x1xi32, #tpu.memory_space<vmem>>) attributes {dimension_semantics = [], scalar_prefetch = 0 : i64, scratch_operands = 0 : i64, tpu.core_type = #tpu.core_type<tc>} {
    %get3A = arith.constant 0 : index
    %get3A_0 = arith.constant 0 : index
    %get3A_1 = vector.load %arg0[%get3A, %get3A_0] : memref<2048x128xf32, #tpu.memory_space<vmem>>, vector<2048x8xf32>
    %get3A_2 = arith.constant 0 : index
    %get3A_3 = arith.constant 0 : index
    %get3A_4 = vector.load %arg1[%get3A_2, %get3A_3] : memref<2048x8xf32, #tpu.memory_space<vmem>>, vector<2048x8xf32>
    %add3A = arith.addf %get3A_1, %get3A_4 : vector<2048x8xf32>
    %reduce_max3A = arith.constant dense<0xFF800000> : vector<2048xf32>
    %reduce_max3A_5 = vector.multi_reduction <maximumf>, %add3A, %reduce_max3A [1] : vector<2048x8xf32> to vector<2048xf32>
    %broadcast_in_dim3A = vector.shape_cast %reduce_max3A_5 : vector<2048xf32> to vector<2048x1xf32>
    %iota3A = tpu.iota {dimensions = array<i32: 1>} : vector<2048x8xi32>
    %eq3A = vector.broadcast %broadcast_in_dim3A : vector<2048x1xf32> to vector<2048x8xf32>
    %eq3A_6 = arith.cmpf oeq, %add3A, %eq3A : vector<2048x8xf32>
    %jit3A = arith.constant 8 : i32
    %broadcast_in_dim3A_7 = vector.broadcast %jit3A : i32 to vector<2048x8xi32>
    %select_n3A = arith.select %eq3A_6, %iota3A, %broadcast_in_dim3A_7 : vector<2048x8xi1>, vector<2048x8xi32>
    %reduce_min3A = arith.constant dense<2147483647> : vector<2048xi32>
    %reduce_min3A_8 = vector.multi_reduction <minsi>, %select_n3A, %reduce_min3A [1] : vector<2048x8xi32> to vector<2048xi32>
    %broadcast_in_dim3A_9 = vector.shape_cast %reduce_min3A_8 : vector<2048xi32> to vector<2048x1xi32>
    %eq3A_10 = vector.broadcast %broadcast_in_dim3A_9 : vector<2048x1xi32> to vector<2048x8xi32>
    %eq3A_11 = arith.cmpi eq, %eq3A_10, %iota3A : vector<2048x8xi32>
    %convert_element_type3A = arith.extui %eq3A_11 : vector<2048x8xi1> to vector<2048x8xi32>
    %convert_element_type3A_12 = arith.sitofp %convert_element_type3A : vector<2048x8xi32> to vector<2048x8xf32>
    %iota3A_13 = tpu.iota {dimensions = array<i32: 0>} : vector<128x128xi32>
    %iota3A_14 = tpu.iota {dimensions = array<i32: 1>} : vector<128x128xi32>
    %le3A = arith.cmpi sle, %iota3A_14, %iota3A_13 : vector<128x128xi32>
    %convert_element_type3A_15 = arith.extui %le3A : vector<128x128xi1> to vector<128x128xi32>
    %convert_element_type3A_16 = arith.sitofp %convert_element_type3A_15 : vector<128x128xi32> to vector<128x128xf32>
    %broadcast_in_dim3A_17 = arith.constant 0.000000e+00 : f32
    %broadcast_in_dim3A_18 = vector.broadcast %broadcast_in_dim3A_17 : f32 to vector<1x8xf32>
    %slice3A = vector.extract_strided_slice %convert_element_type3A_12 {offsets = [0, 0], sizes = [128, 8], strides = [1, 1]} : vector<2048x8xf32> to vector<128x8xf32>
    %dot_general3A = arith.constant dense<0.000000e+00> : vector<128x8xf32>
    %dot_general3A_19 = tpu.matmul %convert_element_type3A_16, %slice3A, %dot_general3A {dimension_numbers = #tpu.dot_dimension_numbers<[1], [0], [0], [1], [0, 0, 1, 1], [], []>, transpose_lhs_hint = false} : vector<128x128xf32>, vector<128x8xf32>, vector<128x8xf32> -> vector<128x8xf32>
    %add3A_20 = vector.broadcast %broadcast_in_dim3A_18 : vector<1x8xf32> to vector<128x8xf32>
    %add3A_21 = arith.addf %dot_general3A_19, %add3A_20 : vector<128x8xf32>
    %slice3A_22 = vector.extract_strided_slice %add3A_21 {offsets = [127, 0], sizes = [1, 8], strides = [1, 1]} : vector<128x8xf32> to vector<1x8xf32>
    %slice3A_23 = vector.extract_strided_slice %convert_element_type3A_12 {offsets = [128, 0], sizes = [128, 8], strides = [1, 1]} : vector<2048x8xf32> to vector<128x8xf32>
    %dot_general3A_24 = arith.constant dense<0.000000e+00> : vector<128x8xf32>
    %dot_general3A_25 = tpu.matmul %convert_element_type3A_16, %slice3A_23, %dot_general3A_24 {dimension_numbers = #tpu.dot_dimension_numbers<[1], [0], [0], [1], [0, 0, 1, 1], [], []>, transpose_lhs_hint = false} : vector<128x128xf32>, vector<128x8xf32>, vector<128x8xf32> -> vector<128x8xf32>
    %add3A_26 = vector.broadcast %slice3A_22 : vector<1x8xf32> to vector<128x8xf32>
    %add3A_27 = arith.addf %dot_general3A_25, %add3A_26 : vector<128x8xf32>
    %slice3A_28 = vector.extract_strided_slice %add3A_27 {offsets = [127, 0], sizes = [1, 8], strides = [1, 1]} : vector<128x8xf32> to vector<1x8xf32>
    %slice3A_29 = vector.extract_strided_slice %convert_element_type3A_12 {offsets = [256, 0], sizes = [128, 8], strides = [1, 1]} : vector<2048x8xf32> to vector<128x8xf32>
    %dot_general3A_30 = arith.constant dense<0.000000e+00> : vector<128x8xf32>
    %dot_general3A_31 = tpu.matmul %convert_element_type3A_16, %slice3A_29, %dot_general3A_30 {dimension_numbers = #tpu.dot_dimension_numbers<[1], [0], [0], [1], [0, 0, 1, 1], [], []>, transpose_lhs_hint = false} : vector<128x128xf32>, vector<128x8xf32>, vector<128x8xf32> -> vector<128x8xf32>
    %add3A_32 = vector.broadcast %slice3A_28 : vector<1x8xf32> to vector<128x8xf32>
    %add3A_33 = arith.addf %dot_general3A_31, %add3A_32 : vector<128x8xf32>
    %slice3A_34 = vector.extract_strided_slice %add3A_33 {offsets = [127, 0], sizes = [1, 8], strides = [1, 1]} : vector<128x8xf32> to vector<1x8xf32>
    %slice3A_35 = vector.extract_strided_slice %convert_element_type3A_12 {offsets = [384, 0], sizes = [128, 8], strides = [1, 1]} : vector<2048x8xf32> to vector<128x8xf32>
    %dot_general3A_36 = arith.constant dense<0.000000e+00> : vector<128x8xf32>
    %dot_general3A_37 = tpu.matmul %convert_element_type3A_16, %slice3A_35, %dot_general3A_36 {dimension_numbers = #tpu.dot_dimension_numbers<[1], [0], [0], [1], [0, 0, 1, 1], [], []>, transpose_lhs_hint = false} : vector<128x128xf32>, vector<128x8xf32>, vector<128x8xf32> -> vector<128x8xf32>
    %add3A_38 = vector.broadcast %slice3A_34 : vector<1x8xf32> to vector<128x8xf32>
    %add3A_39 = arith.addf %dot_general3A_37, %add3A_38 : vector<128x8xf32>
    %slice3A_40 = vector.extract_strided_slice %add3A_39 {offsets = [127, 0], sizes = [1, 8], strides = [1, 1]} : vector<128x8xf32> to vector<1x8xf32>
    %slice3A_41 = vector.extract_strided_slice %convert_element_type3A_12 {offsets = [512, 0], sizes = [128, 8], strides = [1, 1]} : vector<2048x8xf32> to vector<128x8xf32>
    %dot_general3A_42 = arith.constant dense<0.000000e+00> : vector<128x8xf32>
    %dot_general3A_43 = tpu.matmul %convert_element_type3A_16, %slice3A_41, %dot_general3A_42 {dimension_numbers = #tpu.dot_dimension_numbers<[1], [0], [0], [1], [0, 0, 1, 1], [], []>, transpose_lhs_hint = false} : vector<128x128xf32>, vector<128x8xf32>, vector<128x8xf32> -> vector<128x8xf32>
    %add3A_44 = vector.broadcast %slice3A_40 : vector<1x8xf32> to vector<128x8xf32>
    %add3A_45 = arith.addf %dot_general3A_43, %add3A_44 : vector<128x8xf32>
    %slice3A_46 = vector.extract_strided_slice %add3A_45 {offsets = [127, 0], sizes = [1, 8], strides = [1, 1]} : vector<128x8xf32> to vector<1x8xf32>
    %slice3A_47 = vector.extract_strided_slice %convert_element_type3A_12 {offsets = [640, 0], sizes = [128, 8], strides = [1, 1]} : vector<2048x8xf32> to vector<128x8xf32>
    %dot_general3A_48 = arith.constant dense<0.000000e+00> : vector<128x8xf32>
    %dot_general3A_49 = tpu.matmul %convert_element_type3A_16, %slice3A_47, %dot_general3A_48 {dimension_numbers = #tpu.dot_dimension_numbers<[1], [0], [0], [1], [0, 0, 1, 1], [], []>, transpose_lhs_hint = false} : vector<128x128xf32>, vector<128x8xf32>, vector<128x8xf32> -> vector<128x8xf32>
    %add3A_50 = vector.broadcast %slice3A_46 : vector<1x8xf32> to vector<128x8xf32>
    %add3A_51 = arith.addf %dot_general3A_49, %add3A_50 : vector<128x8xf32>
    %slice3A_52 = vector.extract_strided_slice %add3A_51 {offsets = [127, 0], sizes = [1, 8], strides = [1, 1]} : vector<128x8xf32> to vector<1x8xf32>
    %slice3A_53 = vector.extract_strided_slice %convert_element_type3A_12 {offsets = [768, 0], sizes = [128, 8], strides = [1, 1]} : vector<2048x8xf32> to vector<128x8xf32>
    %dot_general3A_54 = arith.constant dense<0.000000e+00> : vector<128x8xf32>
    %dot_general3A_55 = tpu.matmul %convert_element_type3A_16, %slice3A_53, %dot_general3A_54 {dimension_numbers = #tpu.dot_dimension_numbers<[1], [0], [0], [1], [0, 0, 1, 1], [], []>, transpose_lhs_hint = false} : vector<128x128xf32>, vector<128x8xf32>, vector<128x8xf32> -> vector<128x8xf32>
    %add3A_56 = vector.broadcast %slice3A_52 : vector<1x8xf32> to vector<128x8xf32>
    %add3A_57 = arith.addf %dot_general3A_55, %add3A_56 : vector<128x8xf32>
    %slice3A_58 = vector.extract_strided_slice %add3A_57 {offsets = [127, 0], sizes = [1, 8], strides = [1, 1]} : vector<128x8xf32> to vector<1x8xf32>
    %slice3A_59 = vector.extract_strided_slice %convert_element_type3A_12 {offsets = [896, 0], sizes = [128, 8], strides = [1, 1]} : vector<2048x8xf32> to vector<128x8xf32>
    %dot_general3A_60 = arith.constant dense<0.000000e+00> : vector<128x8xf32>
    %dot_general3A_61 = tpu.matmul %convert_element_type3A_16, %slice3A_59, %dot_general3A_60 {dimension_numbers = #tpu.dot_dimension_numbers<[1], [0], [0], [1], [0, 0, 1, 1], [], []>, transpose_lhs_hint = false} : vector<128x128xf32>, vector<128x8xf32>, vector<128x8xf32> -> vector<128x8xf32>
    %add3A_62 = vector.broadcast %slice3A_58 : vector<1x8xf32> to vector<128x8xf32>
    %add3A_63 = arith.addf %dot_general3A_61, %add3A_62 : vector<128x8xf32>
    %slice3A_64 = vector.extract_strided_slice %add3A_63 {offsets = [127, 0], sizes = [1, 8], strides = [1, 1]} : vector<128x8xf32> to vector<1x8xf32>
    %slice3A_65 = vector.extract_strided_slice %convert_element_type3A_12 {offsets = [1024, 0], sizes = [128, 8], strides = [1, 1]} : vector<2048x8xf32> to vector<128x8xf32>
    %dot_general3A_66 = arith.constant dense<0.000000e+00> : vector<128x8xf32>
    %dot_general3A_67 = tpu.matmul %convert_element_type3A_16, %slice3A_65, %dot_general3A_66 {dimension_numbers = #tpu.dot_dimension_numbers<[1], [0], [0], [1], [0, 0, 1, 1], [], []>, transpose_lhs_hint = false} : vector<128x128xf32>, vector<128x8xf32>, vector<128x8xf32> -> vector<128x8xf32>
    %add3A_68 = vector.broadcast %slice3A_64 : vector<1x8xf32> to vector<128x8xf32>
    %add3A_69 = arith.addf %dot_general3A_67, %add3A_68 : vector<128x8xf32>
    %slice3A_70 = vector.extract_strided_slice %add3A_69 {offsets = [127, 0], sizes = [1, 8], strides = [1, 1]} : vector<128x8xf32> to vector<1x8xf32>
    %slice3A_71 = vector.extract_strided_slice %convert_element_type3A_12 {offsets = [1152, 0], sizes = [128, 8], strides = [1, 1]} : vector<2048x8xf32> to vector<128x8xf32>
    %dot_general3A_72 = arith.constant dense<0.000000e+00> : vector<128x8xf32>
    %dot_general3A_73 = tpu.matmul %convert_element_type3A_16, %slice3A_71, %dot_general3A_72 {dimension_numbers = #tpu.dot_dimension_numbers<[1], [0], [0], [1], [0, 0, 1, 1], [], []>, transpose_lhs_hint = false} : vector<128x128xf32>, vector<128x8xf32>, vector<128x8xf32> -> vector<128x8xf32>
    %add3A_74 = vector.broadcast %slice3A_70 : vector<1x8xf32> to vector<128x8xf32>
    %add3A_75 = arith.addf %dot_general3A_73, %add3A_74 : vector<128x8xf32>
    %slice3A_76 = vector.extract_strided_slice %add3A_75 {offsets = [127, 0], sizes = [1, 8], strides = [1, 1]} : vector<128x8xf32> to vector<1x8xf32>
    %slice3A_77 = vector.extract_strided_slice %convert_element_type3A_12 {offsets = [1280, 0], sizes = [128, 8], strides = [1, 1]} : vector<2048x8xf32> to vector<128x8xf32>
    %dot_general3A_78 = arith.constant dense<0.000000e+00> : vector<128x8xf32>
    %dot_general3A_79 = tpu.matmul %convert_element_type3A_16, %slice3A_77, %dot_general3A_78 {dimension_numbers = #tpu.dot_dimension_numbers<[1], [0], [0], [1], [0, 0, 1, 1], [], []>, transpose_lhs_hint = false} : vector<128x128xf32>, vector<128x8xf32>, vector<128x8xf32> -> vector<128x8xf32>
    %add3A_80 = vector.broadcast %slice3A_76 : vector<1x8xf32> to vector<128x8xf32>
    %add3A_81 = arith.addf %dot_general3A_79, %add3A_80 : vector<128x8xf32>
    %slice3A_82 = vector.extract_strided_slice %add3A_81 {offsets = [127, 0], sizes = [1, 8], strides = [1, 1]} : vector<128x8xf32> to vector<1x8xf32>
    %slice3A_83 = vector.extract_strided_slice %convert_element_type3A_12 {offsets = [1408, 0], sizes = [128, 8], strides = [1, 1]} : vector<2048x8xf32> to vector<128x8xf32>
    %dot_general3A_84 = arith.constant dense<0.000000e+00> : vector<128x8xf32>
    %dot_general3A_85 = tpu.matmul %convert_element_type3A_16, %slice3A_83, %dot_general3A_84 {dimension_numbers = #tpu.dot_dimension_numbers<[1], [0], [0], [1], [0, 0, 1, 1], [], []>, transpose_lhs_hint = false} : vector<128x128xf32>, vector<128x8xf32>, vector<128x8xf32> -> vector<128x8xf32>
    %add3A_86 = vector.broadcast %slice3A_82 : vector<1x8xf32> to vector<128x8xf32>
    %add3A_87 = arith.addf %dot_general3A_85, %add3A_86 : vector<128x8xf32>
    %slice3A_88 = vector.extract_strided_slice %add3A_87 {offsets = [127, 0], sizes = [1, 8], strides = [1, 1]} : vector<128x8xf32> to vector<1x8xf32>
    %slice3A_89 = vector.extract_strided_slice %convert_element_type3A_12 {offsets = [1536, 0], sizes = [128, 8], strides = [1, 1]} : vector<2048x8xf32> to vector<128x8xf32>
    %dot_general3A_90 = arith.constant dense<0.000000e+00> : vector<128x8xf32>
    %dot_general3A_91 = tpu.matmul %convert_element_type3A_16, %slice3A_89, %dot_general3A_90 {dimension_numbers = #tpu.dot_dimension_numbers<[1], [0], [0], [1], [0, 0, 1, 1], [], []>, transpose_lhs_hint = false} : vector<128x128xf32>, vector<128x8xf32>, vector<128x8xf32> -> vector<128x8xf32>
    %add3A_92 = vector.broadcast %slice3A_88 : vector<1x8xf32> to vector<128x8xf32>
    %add3A_93 = arith.addf %dot_general3A_91, %add3A_92 : vector<128x8xf32>
    %slice3A_94 = vector.extract_strided_slice %add3A_93 {offsets = [127, 0], sizes = [1, 8], strides = [1, 1]} : vector<128x8xf32> to vector<1x8xf32>
    %slice3A_95 = vector.extract_strided_slice %convert_element_type3A_12 {offsets = [1664, 0], sizes = [128, 8], strides = [1, 1]} : vector<2048x8xf32> to vector<128x8xf32>
    %dot_general3A_96 = arith.constant dense<0.000000e+00> : vector<128x8xf32>
    %dot_general3A_97 = tpu.matmul %convert_element_type3A_16, %slice3A_95, %dot_general3A_96 {dimension_numbers = #tpu.dot_dimension_numbers<[1], [0], [0], [1], [0, 0, 1, 1], [], []>, transpose_lhs_hint = false} : vector<128x128xf32>, vector<128x8xf32>, vector<128x8xf32> -> vector<128x8xf32>
    %add3A_98 = vector.broadcast %slice3A_94 : vector<1x8xf32> to vector<128x8xf32>
    %add3A_99 = arith.addf %dot_general3A_97, %add3A_98 : vector<128x8xf32>
    %slice3A_100 = vector.extract_strided_slice %add3A_99 {offsets = [127, 0], sizes = [1, 8], strides = [1, 1]} : vector<128x8xf32> to vector<1x8xf32>
    %slice3A_101 = vector.extract_strided_slice %convert_element_type3A_12 {offsets = [1792, 0], sizes = [128, 8], strides = [1, 1]} : vector<2048x8xf32> to vector<128x8xf32>
    %dot_general3A_102 = arith.constant dense<0.000000e+00> : vector<128x8xf32>
    %dot_general3A_103 = tpu.matmul %convert_element_type3A_16, %slice3A_101, %dot_general3A_102 {dimension_numbers = #tpu.dot_dimension_numbers<[1], [0], [0], [1], [0, 0, 1, 1], [], []>, transpose_lhs_hint = false} : vector<128x128xf32>, vector<128x8xf32>, vector<128x8xf32> -> vector<128x8xf32>
    %add3A_104 = vector.broadcast %slice3A_100 : vector<1x8xf32> to vector<128x8xf32>
    %add3A_105 = arith.addf %dot_general3A_103, %add3A_104 : vector<128x8xf32>
    %slice3A_106 = vector.extract_strided_slice %add3A_105 {offsets = [127, 0], sizes = [1, 8], strides = [1, 1]} : vector<128x8xf32> to vector<1x8xf32>
    %slice3A_107 = vector.extract_strided_slice %convert_element_type3A_12 {offsets = [1920, 0], sizes = [128, 8], strides = [1, 1]} : vector<2048x8xf32> to vector<128x8xf32>
    %dot_general3A_108 = arith.constant dense<0.000000e+00> : vector<128x8xf32>
    %dot_general3A_109 = tpu.matmul %convert_element_type3A_16, %slice3A_107, %dot_general3A_108 {dimension_numbers = #tpu.dot_dimension_numbers<[1], [0], [0], [1], [0, 0, 1, 1], [], []>, transpose_lhs_hint = false} : vector<128x128xf32>, vector<128x8xf32>, vector<128x8xf32> -> vector<128x8xf32>
    %add3A_110 = vector.broadcast %slice3A_106 : vector<1x8xf32> to vector<128x8xf32>
    %add3A_111 = arith.addf %dot_general3A_109, %add3A_110 : vector<128x8xf32>
    %slice3A_112 = vector.extract_strided_slice %add3A_111 {offsets = [127, 0], sizes = [1, 8], strides = [1, 1]} : vector<128x8xf32> to vector<1x8xf32>
    %concatenate3A = tpu.concatenate %add3A_21, %add3A_27, %add3A_33, %add3A_39, %add3A_45, %add3A_51, %add3A_57, %add3A_63, %add3A_69, %add3A_75, %add3A_81, %add3A_87, %add3A_93, %add3A_99, %add3A_105, %add3A_111 in 0 : vector<128x8xf32>, vector<128x8xf32>, vector<128x8xf32>, vector<128x8xf32>, vector<128x8xf32>, vector<128x8xf32>, vector<128x8xf32>, vector<128x8xf32>, vector<128x8xf32>, vector<128x8xf32>, vector<128x8xf32>, vector<128x8xf32>, vector<128x8xf32>, vector<128x8xf32>, vector<128x8xf32>, vector<128x8xf32> -> vector<2048x8xf32>
    %mul3A = arith.mulf %convert_element_type3A_12, %concatenate3A : vector<2048x8xf32>
    %reduce_sum3A = arith.constant dense<0.000000e+00> : vector<2048xf32>
    %reduce_sum3A_113 = vector.multi_reduction <add>, %mul3A, %reduce_sum3A [1] : vector<2048x8xf32> to vector<2048xf32>
    %broadcast_in_dim3A_114 = vector.shape_cast %reduce_sum3A_113 : vector<2048xf32> to vector<2048x1xf32>
    %sub3A = arith.constant 1.000000e+00 : f32
    %sub3A_115 = vector.broadcast %sub3A : f32 to vector<2048x1xf32>
    %sub3A_116 = arith.subf %broadcast_in_dim3A_114, %sub3A_115 : vector<2048x1xf32>
    %add3A_117 = arith.constant 1.270000e+02 : f32
    %add3A_118 = vector.broadcast %add3A_117 : f32 to vector<1x8xf32>
    %add3A_119 = arith.addf %slice3A_112, %add3A_118 : vector<1x8xf32>
    %mul3A_120 = arith.constant 7.812500e-03 : f32
    %mul3A_121 = vector.broadcast %mul3A_120 : f32 to vector<1x8xf32>
    %mul3A_122 = arith.mulf %add3A_119, %mul3A_121 : vector<1x8xf32>
    %floor3A = math.floor %mul3A_122 : vector<1x8xf32>
    %iota3A_123 = tpu.iota {dimensions = array<i32: 0>} : vector<8x8xi32>
    %iota3A_124 = tpu.iota {dimensions = array<i32: 1>} : vector<8x8xi32>
    %le3A_125 = arith.cmpi sle, %iota3A_123, %iota3A_124 : vector<8x8xi32>
    %convert_element_type3A_126 = arith.extui %le3A_125 : vector<8x8xi1> to vector<8x8xi32>
    %convert_element_type3A_127 = arith.sitofp %convert_element_type3A_126 : vector<8x8xi32> to vector<8x8xf32>
    %dot_general3A_128 = arith.constant dense<0.000000e+00> : vector<1x8xf32>
    %dot_general3A_129 = tpu.matmul %floor3A, %convert_element_type3A_127, %dot_general3A_128 {dimension_numbers = #tpu.dot_dimension_numbers<[1], [0], [0], [1], [0, 0, 1, 1], [], []>, transpose_lhs_hint = false} : vector<1x8xf32>, vector<8x8xf32>, vector<1x8xf32> -> vector<1x8xf32>
    %slice3A_130 = vector.extract_strided_slice %dot_general3A_129 {offsets = [0, 7], sizes = [1, 1], strides = [1, 1]} : vector<1x8xf32> to vector<1x1xf32>
    %sub3A_131 = arith.subf %dot_general3A_129, %floor3A : vector<1x8xf32>
    %mul3A_132 = arith.constant 1.280000e+02 : f32
    %mul3A_133 = vector.broadcast %mul3A_132 : f32 to vector<1x8xf32>
    %mul3A_134 = arith.mulf %sub3A_131, %mul3A_133 : vector<1x8xf32>
    %mul3A_135 = vector.broadcast %mul3A_134 : vector<1x8xf32> to vector<2048x8xf32>
    %mul3A_136 = arith.mulf %convert_element_type3A_12, %mul3A_135 : vector<2048x8xf32>
    %reduce_sum3A_137 = arith.constant dense<0.000000e+00> : vector<2048xf32>
    %reduce_sum3A_138 = vector.multi_reduction <add>, %mul3A_136, %reduce_sum3A_137 [1] : vector<2048x8xf32> to vector<2048xf32>
    %broadcast_in_dim3A_139 = vector.shape_cast %reduce_sum3A_138 : vector<2048xf32> to vector<2048x1xf32>
    %add3A_140 = arith.addf %broadcast_in_dim3A_139, %sub3A_116 : vector<2048x1xf32>
    %convert_element_type3A_141 = arith.fptosi %add3A_140 : vector<2048x1xf32> to vector<2048x1xi32>
    %swap3A = arith.constant 0 : index
    %swap3A_142 = arith.constant 0 : index
    %swap3A_143 = vector.load %arg2[%swap3A, %swap3A_142] : memref<2048x1xi32, #tpu.memory_space<vmem>>, vector<2048x1xi32>
    tpu.vector_store %arg2[%swap3A, %swap3A_142], %convert_element_type3A_141 {strides = array<i32>} : memref<2048x1xi32, #tpu.memory_space<vmem>>, vector<2048x1xi32>,
    %iota3A_144 = tpu.iota {dimensions = array<i32: 0>} : vector<24x1xi32>
    %convert_element_type3A_145 = arith.sitofp %iota3A_144 : vector<24x1xi32> to vector<24x1xf32>
    %sub3A_146 = arith.constant 1.000000e+00 : f32
    %sub3A_147 = vector.broadcast %sub3A_146 : f32 to vector<1x1xf32>
    %sub3A_148 = arith.subf %slice3A_130, %sub3A_147 : vector<1x1xf32>
    %min3A = vector.broadcast %sub3A_148 : vector<1x1xf32> to vector<24x1xf32>
    %min3A_149 = arith.minimumf %convert_element_type3A_145, %min3A : vector<24x1xf32>
    %le3A_150 = vector.broadcast %dot_general3A_129 : vector<1x8xf32> to vector<24x8xf32>
    %le3A_151 = vector.broadcast %min3A_149 : vector<24x1xf32> to vector<24x8xf32>
    %le3A_152 = arith.cmpf ole, %le3A_150, %le3A_151 : vector<24x8xf32>
    %convert_element_type3A_153 = arith.extui %le3A_152 : vector<24x8xi1> to vector<24x8xi32>
    %reduce_sum3A_154 = arith.constant dense<0> : vector<24xi32>
    %reduce_sum3A_155 = vector.multi_reduction <add>, %convert_element_type3A_153, %reduce_sum3A_154 [1] : vector<24x8xi32> to vector<24xi32>
    %broadcast_in_dim3A_156 = vector.shape_cast %reduce_sum3A_155 : vector<24xi32> to vector<24x1xi32>
    %swap3A_157 = arith.constant 0 : index
    %swap3A_158 = arith.constant 0 : index
    %swap3A_159 = vector.load %arg3[%swap3A_157, %swap3A_158] : memref<24x1xi32, #tpu.memory_space<vmem>>, vector<24x1xi32>
    tpu.vector_store %arg3[%swap3A_157, %swap3A_158], %broadcast_in_dim3A_156 {strides = array<i32>} : memref<24x1xi32, #tpu.memory_space<vmem>>, vector<24x1xi32>,
    %convert_element_type3A_160 = arith.fptosi %slice3A_130 : vector<1x1xf32> to vector<1x1xi32>
    %swap3A_161 = arith.constant 0 : index
    %swap3A_162 = arith.constant 0 : index
    %swap3A_163 = vector.load %arg4[%swap3A_161, %swap3A_162] : memref<1x1xi32, #tpu.memory_space<vmem>>, vector<1x1xi32>
    tpu.vector_store %arg4[%swap3A_161, %swap3A_162], %convert_element_type3A_160 {strides = array<i32>} : memref<1x1xi32, #tpu.memory_space<vmem>>, vector<1x1xi32>,
    return
  }
}

module attributes {stable_mosaic.version = 14 : i64} {
  func.func @body(%arg0: i32, %arg1: memref<24xi32, #tpu.memory_space<smem>>, %arg2: memref<1xi32, #tpu.memory_space<smem>>, %arg3: memref<128x1024xf32, #tpu.memory_space<vmem>>, %arg4: memref<1x1024x1024xf32, #tpu.memory_space<vmem>>, %arg5: memref<1x1x1024xf32, #tpu.memory_space<vmem>>, %arg6: memref<1x1024x1024xf32, #tpu.memory_space<vmem>>, %arg7: memref<1x1x1024xf32, #tpu.memory_space<vmem>>, %arg8: memref<128x1024xf32, #tpu.memory_space<vmem>>) attributes {dimension_semantics = [#tpu.dimension_semantics<arbitrary>], iteration_bounds = array<i64: 24>, scalar_prefetch = 2 : i64, scratch_operands = 0 : i64, tpu.core_type = #tpu.core_type<tc>, window_params = [{transform_indices = @transform_0, window_bounds = array<i64: 128, 1024>}, {transform_indices = @transform_1, window_bounds = array<i64: 1, 1024, 1024>}, {transform_indices = @transform_2, window_bounds = array<i64: 1, 1, 1024>}, {transform_indices = @transform_3, window_bounds = array<i64: 1, 1024, 1024>}, {transform_indices = @transform_4, window_bounds = array<i64: 1, 1, 1024>}, {transform_indices = @transform_5, window_bounds = array<i64: 128, 1024>}]} {
    %get3A = arith.constant 0 : index
    %get3A_0 = memref.load %arg2[%get3A] : memref<1xi32, #tpu.memory_space<smem>>
    %lt3A = arith.cmpi slt, %arg0, %get3A_0 : i32
    %convert_element_type3A = arith.extui %lt3A : i1 to i32
    %cond3A = arith.constant 0 : i32
    %cond3A_1 = arith.cmpi ne, %convert_element_type3A, %cond3A : i32
    scf.if %cond3A_1 {
      %get3A_2 = arith.constant 0 : index
      %get3A_3 = arith.constant 0 : index
      %get3A_4 = vector.load %arg3[%get3A_2, %get3A_3] : memref<128x1024xf32, #tpu.memory_space<vmem>>, vector<128x1024xf32>
      %mul3A = arith.mulf %get3A_4, %get3A_4 : vector<128x1024xf32>
      %reduce_sum3A = arith.constant dense<0.000000e+00> : vector<128xf32>
      %reduce_sum3A_5 = vector.multi_reduction <add>, %mul3A, %reduce_sum3A [1] : vector<128x1024xf32> to vector<128xf32>
      %broadcast_in_dim3A = vector.shape_cast %reduce_sum3A_5 : vector<128xf32> to vector<128x1xf32>
      %sqrt3A = math.sqrt %broadcast_in_dim3A : vector<128x1xf32>
      %get3A_6 = arith.constant 0 : index
      %get3A_7 = arith.constant 0 : index
      %get3A_8 = arith.constant 0 : index
      %get3A_9 = vector.load %arg4[%get3A_6, %get3A_7, %get3A_8] : memref<1x1024x1024xf32, #tpu.memory_space<vmem>>, vector<1x1024x1024xf32>
      %get3A_10 = vector.shape_cast %get3A_9 : vector<1x1024x1024xf32> to vector<1024x1024xf32>
      %dot_general3A = arith.constant dense<0.000000e+00> : vector<128x1024xf32>
      %dot_general3A_11 = tpu.matmul %get3A_4, %get3A_10, %dot_general3A {dimension_numbers = #tpu.dot_dimension_numbers<[1], [0], [0], [1], [0, 0, 1, 1], [], []>, transpose_lhs_hint = false} : vector<128x1024xf32>, vector<1024x1024xf32>, vector<128x1024xf32> -> vector<128x1024xf32>
      %get3A_12 = arith.constant 0 : index
      %get3A_13 = arith.constant 0 : index
      %get3A_14 = arith.constant 0 : index
      %get3A_15 = vector.load %arg5[%get3A_12, %get3A_13, %get3A_14] : memref<1x1x1024xf32, #tpu.memory_space<vmem>>, vector<1x1x1024xf32>
      %get3A_16 = vector.shape_cast %get3A_15 : vector<1x1x1024xf32> to vector<1x1024xf32>
      %add3A = vector.broadcast %get3A_16 : vector<1x1024xf32> to vector<128x1024xf32>
      %add3A_17 = arith.addf %dot_general3A_11, %add3A : vector<128x1024xf32>
      %max3A = arith.constant 0.000000e+00 : f32
      %max3A_18 = vector.broadcast %max3A : f32 to vector<128x1024xf32>
      %max3A_19 = arith.maximumf %add3A_17, %max3A_18 : vector<128x1024xf32>
      %get3A_20 = arith.constant 0 : index
      %get3A_21 = arith.constant 0 : index
      %get3A_22 = arith.constant 0 : index
      %get3A_23 = vector.load %arg6[%get3A_20, %get3A_21, %get3A_22] : memref<1x1024x1024xf32, #tpu.memory_space<vmem>>, vector<1x1024x1024xf32>
      %get3A_24 = vector.shape_cast %get3A_23 : vector<1x1024x1024xf32> to vector<1024x1024xf32>
      %dot_general3A_25 = arith.constant dense<0.000000e+00> : vector<128x1024xf32>
      %dot_general3A_26 = tpu.matmul %max3A_19, %get3A_24, %dot_general3A_25 {dimension_numbers = #tpu.dot_dimension_numbers<[1], [0], [0], [1], [0, 0, 1, 1], [], []>, transpose_lhs_hint = false} : vector<128x1024xf32>, vector<1024x1024xf32>, vector<128x1024xf32> -> vector<128x1024xf32>
      %get3A_27 = arith.constant 0 : index
      %get3A_28 = arith.constant 0 : index
      %get3A_29 = arith.constant 0 : index
      %get3A_30 = vector.load %arg7[%get3A_27, %get3A_28, %get3A_29] : memref<1x1x1024xf32, #tpu.memory_space<vmem>>, vector<1x1x1024xf32>
      %get3A_31 = vector.shape_cast %get3A_30 : vector<1x1x1024xf32> to vector<1x1024xf32>
      %add3A_32 = vector.broadcast %get3A_31 : vector<1x1024xf32> to vector<128x1024xf32>
      %add3A_33 = arith.addf %dot_general3A_26, %add3A_32 : vector<128x1024xf32>
      %max3A_34 = arith.constant 0.000000e+00 : f32
      %max3A_35 = vector.broadcast %max3A_34 : f32 to vector<128x1024xf32>
      %max3A_36 = arith.maximumf %add3A_33, %max3A_35 : vector<128x1024xf32>
      %add3A_37 = arith.constant 9.99999997E-7 : f32
      %add3A_38 = vector.broadcast %add3A_37 : f32 to vector<128x1xf32>
      %add3A_39 = arith.addf %sqrt3A, %add3A_38 : vector<128x1xf32>
      %div3A = vector.broadcast %add3A_39 : vector<128x1xf32> to vector<128x1024xf32>
      %div3A_40 = arith.divf %max3A_36, %div3A : vector<128x1024xf32>
      %swap3A = arith.constant 0 : index
      %swap3A_41 = arith.constant 0 : index
      %swap3A_42 = vector.load %arg8[%swap3A, %swap3A_41] : memref<128x1024xf32, #tpu.memory_space<vmem>>, vector<128x1024xf32>
      tpu.vector_store %arg8[%swap3A, %swap3A_41], %div3A_40 {strides = array<i32>} : memref<128x1024xf32, #tpu.memory_space<vmem>>, vector<128x1024xf32>,
    } else {
    }
    return
  }
  func.func @transform_0(%arg0: i32, %arg1: memref<24xi32, #tpu.memory_space<smem>>, %arg2: memref<1xi32, #tpu.memory_space<smem>>) -> (i32, i32) {
    %get3A = arith.constant 0 : index
    %get3A_0 = memref.load %arg2[%get3A] : memref<1xi32, #tpu.memory_space<smem>>
    %sub3A = arith.constant 1 : i32
    %sub3A_1 = arith.subi %get3A_0, %sub3A : i32
    %min3A = arith.minsi %arg0, %sub3A_1 : i32
    %c0_i32 = arith.constant 0 : i32
    %c0_i32_2 = arith.constant 0 : i32
    return %min3A, %c0_i32 : i32, i32
  }
  func.func @transform_1(%arg0: i32, %arg1: memref<24xi32, #tpu.memory_space<smem>>, %arg2: memref<1xi32, #tpu.memory_space<smem>>) -> (i32, i32, i32) {
    %get3A = arith.index_cast %arg0 : i32 to index
    %get3A_0 = memref.load %arg1[%get3A] : memref<24xi32, #tpu.memory_space<smem>>
    %c0_i32 = arith.constant 0 : i32
    %c0_i32_1 = arith.constant 0 : i32
    %c0_i32_2 = arith.constant 0 : i32
    return %get3A_0, %c0_i32, %c0_i32_1 : i32, i32, i32
  }
  func.func @transform_2(%arg0: i32, %arg1: memref<24xi32, #tpu.memory_space<smem>>, %arg2: memref<1xi32, #tpu.memory_space<smem>>) -> (i32, i32, i32) {
    %get3A = arith.index_cast %arg0 : i32 to index
    %get3A_0 = memref.load %arg1[%get3A] : memref<24xi32, #tpu.memory_space<smem>>
    %c0_i32 = arith.constant 0 : i32
    %c0_i32_1 = arith.constant 0 : i32
    %c0_i32_2 = arith.constant 0 : i32
    return %get3A_0, %c0_i32, %c0_i32_1 : i32, i32, i32
  }
  func.func @transform_3(%arg0: i32, %arg1: memref<24xi32, #tpu.memory_space<smem>>, %arg2: memref<1xi32, #tpu.memory_space<smem>>) -> (i32, i32, i32) {
    %get3A = arith.index_cast %arg0 : i32 to index
    %get3A_0 = memref.load %arg1[%get3A] : memref<24xi32, #tpu.memory_space<smem>>
    %c0_i32 = arith.constant 0 : i32
    %c0_i32_1 = arith.constant 0 : i32
    %c0_i32_2 = arith.constant 0 : i32
    return %get3A_0, %c0_i32, %c0_i32_1 : i32, i32, i32
  }
  func.func @transform_4(%arg0: i32, %arg1: memref<24xi32, #tpu.memory_space<smem>>, %arg2: memref<1xi32, #tpu.memory_space<smem>>) -> (i32, i32, i32) {
    %get3A = arith.index_cast %arg0 : i32 to index
    %get3A_0 = memref.load %arg1[%get3A] : memref<24xi32, #tpu.memory_space<smem>>
    %c0_i32 = arith.constant 0 : i32
    %c0_i32_1 = arith.constant 0 : i32
    %c0_i32_2 = arith.constant 0 : i32
    return %get3A_0, %c0_i32, %c0_i32_1 : i32, i32, i32
  }
  func.func @transform_5(%arg0: i32, %arg1: memref<24xi32, #tpu.memory_space<smem>>, %arg2: memref<1xi32, #tpu.memory_space<smem>>) -> (i32, i32) {
    %get3A = arith.constant 0 : index
    %get3A_0 = memref.load %arg2[%get3A] : memref<1xi32, #tpu.memory_space<smem>>
    %sub3A = arith.constant 1 : i32
    %sub3A_1 = arith.subi %get3A_0, %sub3A : i32
    %min3A = arith.minsi %arg0, %sub3A_1 : i32
    %c0_i32 = arith.constant 0 : i32
    %c0_i32_2 = arith.constant 0 : i32
    return %min3A, %c0_i32 : i32, i32
  }
}

module attributes {stable_mosaic.version = 14 : i64} {
  func.func @body(%arg0: i32, %arg1: memref<256x1024xf32, #tpu.memory_space<vmem>>, %arg2: memref<1024x1024xf32, #tpu.memory_space<vmem>>, %arg3: memref<1x1024xf32, #tpu.memory_space<vmem>>, %arg4: memref<1024x1000xf32, #tpu.memory_space<vmem>>, %arg5: memref<1x1000xf32, #tpu.memory_space<vmem>>, %arg6: memref<256x1000xf32, #tpu.memory_space<vmem>>) attributes {dimension_semantics = [#tpu.dimension_semantics<arbitrary>], iteration_bounds = array<i64: 8>, scalar_prefetch = 0 : i64, scratch_operands = 0 : i64, tpu.core_type = #tpu.core_type<tc>, window_params = [{transform_indices = @transform_0, window_bounds = array<i64: 256, 1024>}, {pipeline_mode = #tpu.pipeline_mode<synchronous>, transform_indices = @transform_1, window_bounds = array<i64: 1024, 1024>}, {pipeline_mode = #tpu.pipeline_mode<synchronous>, transform_indices = @transform_2, window_bounds = array<i64: 1, 1024>}, {pipeline_mode = #tpu.pipeline_mode<synchronous>, transform_indices = @transform_3, window_bounds = array<i64: 1024, 1000>}, {pipeline_mode = #tpu.pipeline_mode<synchronous>, transform_indices = @transform_4, window_bounds = array<i64: 1, 1000>}, {transform_indices = @transform_5, window_bounds = array<i64: 256, 1000>}]} {
    %get3A = arith.constant 0 : index
    %get3A_0 = arith.constant 0 : index
    %get3A_1 = vector.load %arg1[%get3A, %get3A_0] : memref<256x1024xf32, #tpu.memory_space<vmem>>, vector<256x1024xf32>
    %get3A_2 = arith.constant 0 : index
    %get3A_3 = arith.constant 0 : index
    %get3A_4 = vector.load %arg2[%get3A_2, %get3A_3] : memref<1024x1024xf32, #tpu.memory_space<vmem>>, vector<1024x1024xf32>
    %dot_general3A = arith.constant dense<0.000000e+00> : vector<256x1024xf32>
    %dot_general3A_5 = tpu.matmul %get3A_1, %get3A_4, %dot_general3A {dimension_numbers = #tpu.dot_dimension_numbers<[1], [0], [0], [1], [0, 0, 1, 1], [], []>, transpose_lhs_hint = false} : vector<256x1024xf32>, vector<1024x1024xf32>, vector<256x1024xf32> -> vector<256x1024xf32>
    %get3A_6 = arith.constant 0 : index
    %get3A_7 = arith.constant 0 : index
    %get3A_8 = vector.load %arg3[%get3A_6, %get3A_7] : memref<1x1024xf32, #tpu.memory_space<vmem>>, vector<1x1024xf32>
    %add3A = vector.broadcast %get3A_8 : vector<1x1024xf32> to vector<256x1024xf32>
    %add3A_9 = arith.addf %dot_general3A_5, %add3A : vector<256x1024xf32>
    %max3A = arith.constant 0.000000e+00 : f32
    %max3A_10 = vector.broadcast %max3A : f32 to vector<256x1024xf32>
    %max3A_11 = arith.maximumf %add3A_9, %max3A_10 : vector<256x1024xf32>
    %get3A_12 = arith.constant 0 : index
    %get3A_13 = arith.constant 0 : index
    %get3A_14 = vector.load %arg4[%get3A_12, %get3A_13] : memref<1024x1000xf32, #tpu.memory_space<vmem>>, vector<1024x1000xf32>
    %dot_general3A_15 = arith.constant dense<0.000000e+00> : vector<256x1000xf32>
    %dot_general3A_16 = tpu.matmul %max3A_11, %get3A_14, %dot_general3A_15 {dimension_numbers = #tpu.dot_dimension_numbers<[1], [0], [0], [1], [0, 0, 1, 1], [], []>, transpose_lhs_hint = false} : vector<256x1024xf32>, vector<1024x1000xf32>, vector<256x1000xf32> -> vector<256x1000xf32>
    %get3A_17 = arith.constant 0 : index
    %get3A_18 = arith.constant 0 : index
    %get3A_19 = vector.load %arg5[%get3A_17, %get3A_18] : memref<1x1000xf32, #tpu.memory_space<vmem>>, vector<1x1000xf32>
    %add3A_20 = vector.broadcast %get3A_19 : vector<1x1000xf32> to vector<256x1000xf32>
    %add3A_21 = arith.addf %dot_general3A_16, %add3A_20 : vector<256x1000xf32>
    %swap3A = arith.constant 0 : index
    %swap3A_22 = arith.constant 0 : index
    %swap3A_23 = vector.load %arg6[%swap3A, %swap3A_22] : memref<256x1000xf32, #tpu.memory_space<vmem>>, vector<256x1000xf32>
    tpu.vector_store %arg6[%swap3A, %swap3A_22], %add3A_21 {strides = array<i32>} : memref<256x1000xf32, #tpu.memory_space<vmem>>, vector<256x1000xf32>,
    return
  }
  func.func @transform_0(%arg0: i32) -> (i32, i32) {
    %c0_i32 = arith.constant 0 : i32
    %c0_i32_0 = arith.constant 0 : i32
    return %arg0, %c0_i32 : i32, i32
  }
  func.func @transform_1(%arg0: i32) -> (i32, i32) {
    %c0_i32 = arith.constant 0 : i32
    %c0_i32_0 = arith.constant 0 : i32
    %c0_i32_1 = arith.constant 0 : i32
    return %c0_i32, %c0_i32_0 : i32, i32
  }
  func.func @transform_2(%arg0: i32) -> (i32, i32) {
    %c0_i32 = arith.constant 0 : i32
    %c0_i32_0 = arith.constant 0 : i32
    %c0_i32_1 = arith.constant 0 : i32
    return %c0_i32, %c0_i32_0 : i32, i32
  }
  func.func @transform_3(%arg0: i32) -> (i32, i32) {
    %c0_i32 = arith.constant 0 : i32
    %c0_i32_0 = arith.constant 0 : i32
    %c0_i32_1 = arith.constant 0 : i32
    return %c0_i32, %c0_i32_0 : i32, i32
  }
  func.func @transform_4(%arg0: i32) -> (i32, i32) {
    %c0_i32 = arith.constant 0 : i32
    %c0_i32_0 = arith.constant 0 : i32
    %c0_i32_1 = arith.constant 0 : i32
    return %c0_i32, %c0_i32_0 : i32, i32
  }
  func.func @transform_5(%arg0: i32) -> (i32, i32) {
    %c0_i32 = arith.constant 0 : i32
    %c0_i32_0 = arith.constant 0 : i32
    return %arg0, %c0_i32 : i32, i32
  }
}

</mosaic_0001>

<sc_bundles>
// kernel: kernel.12.cloned.1.call-start
scs
__scs_entry_jumppad:
0x0: {  	(pc) =	sbr.rel $0x88, $3  }
0x1: {  	(tag) =	ssettag $0x0;
	lr =	simm.s32 $0x1  }
0x2: {  	[smem:$0x3F92] =	sst lr;
	_ =	strace $0xD0000000  }
0x3: {  	_ = 	snop  }
0x4: {  	_ = 	snop  }
0x5: {  	_ = 	snop  }
0x6: {  	_ = 	snop  }
0x7: {  	_ = 	snop  }
__scs_overlays_trampoline_lowered:
0x8: {  	[smem:$0x3FA1] =	sst s0  }
0x9: {  	[smem:$0x3FA2] =	sst s1  }
0xa: {  	[smem:$0x3FA3] =	sst s2  }
0xb: {  	[smem:$0x3FA4] =	sst s3  }
0xc: {  	[smem:$0x3FA5] =	sst s4  }
0xd: {  	[smem:$0x3FA6] =	sst s5  }
0xe: {  	[smem:$0x3FA7] =	sst s6  }
0xf: {  	[smem:$0x3FA8] =	sst s7  }
0x10: {  	[smem:$0x3FA9] =	sst s8  }
0x11: {  	[smem:$0x3FAA] =	sst s9;
	s0 =	simm.s32 @!p0 $0x0  }
0x12: {  	s1 =	sld [smem:$0x3F90];
	s0 =	simm.s32 @p0 $0x1  }
0x13: {  	[smem:$0x3FAB] =	sst s0;
	s0 =	simm.s32 @!p1 $0x0  }
0x14: {  	s2 =	sld [smem:$0x3F8F];
	s0 =	simm.s32 @p1 $0x1  }
0x15: {  	[smem:$0x3FAC] =	sst s0;
	s0 =	simm.s32 @!p2 $0x0  }
0x16: {  	s3 =	sld [smem:$0x3FDB];
	s0 =	simm.s32 @p2 $0x1  }
0x17: {  	s4 =	simm.s32 $0x1BF5;
	[smem:$0x3FAE] =	sst s0  }
0x18: {  	s0 =	sld [smem:$0x3F91];
	_ =	swait.ge [sflag:s4], $0x0  }
0x19: {  	s7 =	sld [smem:$0x3F92]  }
0x1a: {  	s8 =	sadd.s32 $0xFFFFE003, lr  }
0x1b: {  	s9 =	sadd.s32 $0xFFFFFEF7, lr;
	s5 =	simm.s32 $0xFFFFFFFF;
	p2 =	slt.u32 s8, $0xFFFFF086  }
0x1c: {  	p1 =	slt.u32 s9, $0xF7A;
	s5 =	simm.s32 @!p2 $0x0  }
0x1d: {  	s5 =	simm.s32 @p1 $0x1;
	p0 =	seq.s32 s7, s2  }
0x1e: {  	s7 =	smul.u32 @!p0 $0xF7A, s2;
	p2 =	seq.s32 @!p0 s5, $0x0  }
0x1f: {  	s9 =	smul.u32 $0xF7A, s1;
	s8 =	simm.s32 @!p0 $0x1BF5;
	p2 =	por !p2, p0  }
0x20: {  	[sflag:s8] =	ssyncset.s32 @!p0 $0xFFFFF086;
	s6 =	sadd.s32 @!p0 s3, s7;
	s7 =	simm.s32 @!p0 $0x108  }
0x21: {  	s3 =	sadd.s32 s3, s9;
	s6 =	sadd.s32 @!p0 $0x88, s6;
	s7 =	simm.s32 @p2 $0x1082  }
0x22: {  	[simem:s7], [sflag:s8] =	dma.local @!p0 [hbm:s6], $0xF7A  }
0x23: {  	s9 =	sor.u32 $0xD0000000, s2;
	s6 =	simm.s32 $0x108;
	_ =	swait.ge @!p0 [sflag:s8], $0x0  }
0x24: {  	s3 =	sadd.s32 $0x88, s3;
	s6 =	simm.s32 @!p1 $0x1082;
	[sflag:s4] =	ssyncset.s32 $0xFFFFF086  }
0x25: {  	[simem:s6], [sflag:s4] =	dma.local [hbm:s3], $0xF7A  }
0x26: {  	[smem:$0x3F92] =	sst s1;
	(tag) =	ssettag s2;
	_ =	strace s9  }
0x27: {  	s1 =	sld [smem:$0x3FA2]  }
0x28: {  	s2 =	sld [smem:$0x3FA3]  }
0x29: {  	s4 =	sld [smem:$0x3FA5]  }
0x2a: {  	p0 =	seq.s32 s5, $0x0;
	s5 =	sld [smem:$0x3FA6]  }
0x2b: {  	s6 =	sld [smem:$0x3FA7]  }
0x2c: {  	s7 =	sld [smem:$0x3FA8]  }
0x2d: {  	s3 =	simm.s32 $0x108;
	s8 =	sld [smem:$0x3FA9]  }
0x2e: {  	s3 =	simm.s32 @!p0 $0x1082;
	s9 =	sld [smem:$0x3FAA]  }
0x2f: {  	lr =	sadd.s32 s0, s3;
	s0 =	sld [smem:$0x3FA1]  }
0x30: {  	s3 =	sld [smem:$0x3FA4]  }
0x31: {  	[smem:$0x3FAD] =	sst s10  }
0x32: {  	s10 =	sld [smem:$0x3FAB];
	_ =	sdelay $0x3  }
0x33: {  	p0 =	seq.s32 s10, $0x1;
	s10 =	sld [smem:$0x3FAD];
	_ =	sdelay $0x3  }
0x34: {  	[smem:$0x3FAD] =	sst s10  }
0x35: {  	s10 =	sld [smem:$0x3FAC];
	_ =	sdelay $0x3  }
0x36: {  	p1 =	seq.s32 s10, $0x1;
	s10 =	sld [smem:$0x3FAD];
	_ =	sdelay $0x3  }
0x37: {  	[smem:$0x3FAD] =	sst s10  }
0x38: {  	s10 =	sld [smem:$0x3FAE]  }
0x39: {  	_ = 	snop;
	(pc) =	sbr.ind lr, $3  }
0x3a: {  	_ = 	snop  }
0x3b: {  	_ = 	snop  }
0x3c: {  	p2 =	seq.s32 s10, $0x1;
	s10 =	sld [smem:$0x3FAD]  }
0x3d: {  	_ =	shalt  }
0x3e: {  	_ =	shalt  }
0x3f: {  	_ =	shalt  }
0x40: {  	_ =	shalt  }
0x41: {  	_ =	shalt  }
0x42: {  	_ =	shalt  }
0x43: {  	_ =	shalt  }
0x44: {  	_ =	shalt  }
0x45: {  	_ =	shalt  }
0x46: {  	_ =	shalt  }
0x47: {  	_ =	shalt  }
0x48: {  	_ =	shalt  }
0x49: {  	_ =	shalt  }
0x4a: {  	_ =	shalt  }
0x4b: {  	_ =	shalt  }
0x4c: {  	_ =	shalt  }
0x4d: {  	_ =	shalt  }
0x4e: {  	_ =	shalt  }
0x4f: {  	_ =	shalt  }
0x50: {  	_ =	shalt  }
0x51: {  	_ =	shalt  }
0x52: {  	_ =	shalt  }
0x53: {  	_ =	shalt  }
0x54: {  	_ =	shalt  }
0x55: {  	_ =	shalt  }
0x56: {  	_ =	shalt  }
0x57: {  	_ =	shalt  }
0x58: {  	_ =	shalt  }
0x59: {  	_ =	shalt  }
0x5a: {  	_ =	shalt  }
0x5b: {  	_ =	shalt  }
0x5c: {  	_ =	shalt  }
0x5d: {  	_ =	shalt  }
0x5e: {  	_ =	shalt  }
0x5f: {  	_ =	shalt  }
0x60: {  	_ =	shalt  }
0x61: {  	_ =	shalt  }
0x62: {  	_ =	shalt  }
0x63: {  	_ =	shalt  }
0x64: {  	_ =	shalt  }
0x65: {  	_ =	shalt  }
0x66: {  	_ =	shalt  }
0x67: {  	_ =	shalt  }
0x68: {  	_ =	shalt  }
0x69: {  	_ =	shalt  }
0x6a: {  	_ =	shalt  }
0x6b: {  	_ =	shalt  }
0x6c: {  	_ =	shalt  }
0x6d: {  	_ =	shalt  }
0x6e: {  	_ =	shalt  }
0x6f: {  	_ =	shalt  }
0x70: {  	_ =	shalt  }
0x71: {  	_ =	shalt  }
0x72: {  	_ =	shalt  }
0x73: {  	_ =	shalt  }
0x74: {  	_ =	shalt  }
0x75: {  	_ =	shalt  }
0x76: {  	_ =	shalt  }
0x77: {  	_ =	shalt  }
0x78: {  	_ =	shalt  }
0x79: {  	_ =	shalt  }
0x7a: {  	_ =	shalt  }
0x7b: {  	_ =	shalt  }
0x7c: {  	_ =	shalt  }
0x7d: {  	_ =	shalt  }
0x7e: {  	_ =	shalt  }
0x7f: {  	_ =	shalt  }
0x80: {  	_ =	shalt  }
0x81: {  	_ =	shalt  }
0x82: {  	_ =	shalt  }
0x83: {  	_ =	shalt  }
0x84: {  	_ =	shalt  }
0x85: {  	_ =	shalt  }
0x86: {  	_ =	shalt  }
0x87: {  	_ =	shalt  }
.Lfunc_end0:
.L_simem_size_0:
called_computation_lowered:
.L_overlay_start_0:
0x88: {  	s2 =	sld [smem:$0x3FD9]  }
0x89: {  	s3 =	sld [smem:$0x3FFE];
	_ =	sdelay $0x1  }
0x8a: {  	s1 =	srdreg.scid  }
0x8b: {  	s0 =	sand.u32 $0x1, s1  }
0x8c: {  	s16 =	sshll.u32 s0, $0xA;
	s2 =	sadd.s32 s3, s2  }
0x8d: {  	s2 =	sadd.s32 s2, s16  }
0x8e: {  	[smem:$0x3FB9] =	sst s2  }
0x8f: {  	_ = 	snop  }
0x90: {  	(tm) =	ssettm $0x1  }
0x91: {  	s17 =	sld [smem:$0x3FFB];
	_ =	sdelay $0x3  }
0x92: {  	_ =	strace s17  }
0x93: {  	s2 =	sld [smem:$0x3FFC];
	_ =	sdelay $0x3  }
0x94: {  	_ =	strace s2  }
0x95: {  	s2 =	sld [smem:$0x3FFD];
	_ =	sdelay $0x3  }
0x96: {  	_ =	strace s2  }
0x97: {  	_ =	strace $0x8FFFFFFF  }
0x98: {  	s18 =	sld [smem:$0x3FDB];
	_ =	sdelay $0x1  }
0x99: {  	s19 =	simm.s32 $_scs_section_size  }
0x9a: {  	s4 =	simm.s32 $_size__tile_overlayer_lowered;
	s5 =	simm.s32 $_tile_overlayer_lowered  }
0x9b: {  	s22 =	simm.s32 $0x1BFF;
	s21 =	sshll.u32 s5, $0x1;
	s2 =	sadd.s32 s19, s18  }
0x9c: {  	s6 =	simm.s32 $0x0;
	s20 =	sshll.u32 s4, $0x1;
	s4 =	sadd.s32 s21, s2  }
0x9d: {  	[timem:s6], [sflag:s22] =	dma.local [hbm:s4], s20  }
0x9e: {  	_ =	swait.ge [sflag:s22], s20  }
0x9f: {  	s3 =	ssub.s32 $0x0, s20;
	[sflag:s22] =	ssyncset.done $0x0  }
0xa0: {  	[sflag:s22] =	ssyncadd.s32 s3;
	_ =	sdelay $0x1  }
0xa1: {  	s23 =	simm.s32 $0x1B8B  }
0xa2: {  	_ =	swait.ge [sflag:s23], $0x1  }
0xa3: {  	[sflag:s23] =	ssyncset.done $0x0  }
0xa4: {  	s25 =	simm.s32 $0x1B8E;
	s24 =	sld [smem:$0x3FFE];
	[sflag:s23] =	ssyncadd.s32 $0xFFFFFFFF  }
0xa5: {  	s26 =	simm.s32 $execute0_lowered;
	[smem:$0x3FD2] =	sst s25  }
0xa6: {  	s4 =	sshll.u32 s26, $0x1;
	_ =	strace $0x80000046;
	[dreg:$0x1] =	wrdreg $0xFFFFFFFF  }
0xa7: {  	s28 =	simm.s32 $_size_execute0_lowered;
	s2 =	sadd.s32 s2, s4;
	[dreg:$0x0] =	wrdreg $0x0  }
0xa8: {  	s4 =	sshll.u32 s28, $0x1;
	[dreg:$0x2] =	wrdreg s2  }
0xa9: {  	[dreg:$0x3] =	wrdreg s4  }
0xaa: {  	[dreg:$0x4] =	wrdreg $0xC0  }
0xab: {  	_ =	task [dreg:s6], $0x5FFFF  }
0xac: {  	[dreg:$0x1] =	wrdreg $0xFFFFFFFF  }
0xad: {  	[dreg:$0x0] =	wrdreg $0x60  }
0xae: {  	[dreg:$0x2] =	wrdreg s24  }
0xaf: {  	[dreg:$0x3] =	wrdreg $0x9  }
0xb0: {  	_ =	task.clear_ibuf [dreg:s6], $0x4FFFF;
	_ =	strace $0x90000046  }
0xb1: {  	s29 =	simm.s32 $0x9;
	_ =	strace $0x80000048  }
0xb2: {  	_ =	swait.ge [sflag:s29], $0x1  }
0xb3: {  	[sflag:s29] =	ssyncadd.s32 $0xFFFFFFFF  }
0xb4: {  	_ =	strace $0x90000048  }
0xb5: {  	_ =	sfence  }
0xb6: {  	s30 =	sld [smem:$0x0];
	_ =	sdelay $0x2  }
0xb7: {  	s31 =	sshll.u32 s1, $0xD;
	s1 =	sshrl.u32 s1, $0x2  }
0xb8: {  	s3 =	sand.u32 $0x4000, s31;
	s1 =	sadd.s32 s1, s30  }
0xb9: {  	s0 =	sor.u32 s3, s0;
	s1 =	sshll.u32 s1, $0x11  }
0xba: {  	s0 =	sor.u32 s1, s0  }
0xbb: {  	s0 =	sadd.s32 $0x8F2B, s0  }
0xbc: {  	[sflag:s0] =	ssyncadd.remote.s32 $0x1  }
0xbd: {  	_ =	sfence.sel $0xFFFF  }
0xbe: {  	[dreg:$0x0] =	wrdreg $0xFFFFFFFF;
	(pc) =	sbr.abs _section_cstart, $3  }
0xbf: {  	[dreg:$0x1] =	wrdreg $0xFFFFFFFF  }
0xc0: {  	_ =	task.clear_ibuf [dreg:s6], $0x2FFFF;
	_ =	strace $0x9FFFFFFF  }
0xc1: {  	(tm) =	ssettm $0x7FFFFFFF  }
tec
execute0_lowered:
.L_overlay_start_1:
0x0: {  	(tag) =	ssettag $0x1  }
0x1: {  	s1 =	srdreg.scid  }
0x2: {  	s0 =	stileid.u32;
	s6 =	rddreg [dreg:$0x0]  }
0x3: {  	s19 =	simm.s32 $0x880;
	s20 =	simm.s32 $0x1080;
	s21 =	simm.s32 $0x1880  }
0x4: {  	s22 =	simm.s32 $0x2080;
	s23 =	simm.s32 $0x2880;
	s7 =	simm.s32 $0x3080  }
0x5: {  	s24 =	simm.s32 $0x3880;
	s8 =	simm.s32 $0x4080;
	s25 =	simm.s32 $0x4880  }
0x6: {  	s26 =	simm.s32 $0x5080;
	s9 =	simm.s32 $0x80;
	s1 =	sand.u32 $0x1, s1  }
0x7: {  	s11 =	simm.s32 $0x6080;
	s2 =	sshll.u32 s0, $0x7;
	s3 =	sshll.u32 s1, $0x6  }
0x8: {  	s12 =	simm.s32 $0x6880;
	s3 =	sor.u32 s3, s2;
	s2 =	simm.s32 $0x0  }
0x9: {  	s13 =	simm.s32 $0x7080;
	s14 =	simm.s32 $0x7880;
	[smem:$0x7FF] =	sst s2  }
0xa: {  	s15 =	simm.s32 $0x8080;
	_ =	strace $0x80000047;
	[dreg:$0x4] =	wrdreg s19  }
0xb: {  	s16 =	simm.s32 $0x8880;
	s17 =	simm.s32 $0x9080;
	[dreg:$0x5] =	wrdreg s20  }
0xc: {  	s18 =	simm.s32 $0x9880;
	s28 =	simm.s32 $0xE080;
	[dreg:$0x6] =	wrdreg s21  }
0xd: {  	s29 =	simm.s32 $0xE880;
	s30 =	simm.s32 $0xF080;
	[dreg:$0x7] =	wrdreg s22  }
0xe: {  	s31 =	simm.s32 $0xF880;
	s1 =	ssub.s32 $0x2, s1;
	[dreg:$0x8] =	wrdreg s23  }
0xf: {  	s5 =	sshrl.u32 s1, $0x1;
	s4 =	sshrl.u32 s3, $0x3;
	[dreg:$0x9] =	wrdreg s7  }
0x10: {  	s3 =	sshll.u32 s3, $0x7;
	s1 =	ssub.s32 s1, s5;
	[dreg:$0xa] =	wrdreg s24  }
0x11: {  	s5 =	sadd.s32 $0x42C00, s6;
	s4 =	sadd.s32 s4, s6;
	[dreg:$0xb] =	wrdreg s8  }
0x12: {  	s3 =	sadd.s32 s3, s6;
	s7 =	smax.u32 s1, $0x1;
	[dreg:$0xc] =	wrdreg s25  }
0x13: {  	s8 =	simm.s32 $0x2;
	[dreg:$0xd] =	wrdreg s26;
	s19 =	simm.s32 $0xA080  }
0x14: {  	s20 =	simm.s32 $0xA880;
	s21 =	simm.s32 $0xB080;
	s22 =	simm.s32 $0xB880  }
0x15: {  	s23 =	simm.s32 $0xC080;
	s24 =	simm.s32 $0xC880;
	s4 =	sadd.s32 $0x42800, s4  }
0x16: {  	v2 =	vlaneseq.u32;
	s25 =	simm.s32 $0xD080;
	s3 =	sadd.s32 $0x2800, s3;
	[dreg:$0x2] =	wrdreg s4  }
0x17: {  	vm0 =	vmmov $0xffff;
	v1 =	vshrl.u32 v2, $0x3;
	s26 =	simm.s32 $0xD880;
	s1 =	simm.s32 $0x1;
	[dreg:$0x3] =	wrdreg s3  }
0x18: {  	v0 =	vand.u32 $0x7, v2;
	v2 =	vor.u32 $0x8, v2;
	v1 =	vmul.u32 $0x8, v1;
	s3 =	sadd.s32 $0x42A00, s6;
	s4 =	sadd.s32 $0x42B00, s6;
	s6 =	sadd.s32 $0x42D00, s6  }
.LBB2_1:
0x19: {  	s0 =	rddreg [dreg:$0x2]  }
0x1a: {  	[tilespmem:s2], [sflag:$0x2] =	stream.linear.gather [hbm4b:s0+s2], $0x40, $0x38;
	[tilespmem:$0x10080] =	vst v63  }
0x1b: {  	_ =	swait.ge [sflag:s8], $0x40  }
0x1c: {  	[sflag:s8] =	ssyncset.done $0x0  }
0x1d: {  	s10 =	rddreg [dreg:$0x3];
	[sflag:s8] =	ssyncadd.s32 $0xFFFFFFC0  }
0x1e: {  	[tilespmem:s9], [sflag:$0x2] =	stream.linear.gather [hbm4b:s10+s2], $0x10000, $0x38;
	[tilespmem:$0x10080] =	vst v63  }
0x1f: {  	_ =	swait.ge [sflag:s8], $0x10000  }
0x20: {  	[sflag:s8] =	ssyncset.done $0x0  }
0x21: {  	[sflag:s8] =	ssyncadd.s32 $0xFFFF0000  }
0x22: {  	v3 =	vld [tilespmem:$0x0];
	_ =	sdelay $0x4  }
0x23: {  	v4 =	vshll.u32 v3, $0x3  }
0x24: {  	v3 =	vand.u32 $0x7, v3;
	v4 =	vand.u32 $0xFFFFFFC0, v4  }
0x25: {  	v3 =	vor.u32 v3, v4  }
0x26: {  	v4 =	vperm.xlane v3, v0;
	_ =	sdelay $0x1  }
0x27: {  	v4 =	vadd.s32 v1, v4;
	_ =	sdelay $0x4  }
0x28: {  	[hbm4b:s3+s2] =	stream.indirect_vreg.scatter [tilespmem:s9], [sflag:$0x1], $0x80, v4, vm0, $0xb8;
	[tilespmem:$0x10080] =	vst v63  }
0x29: {  	s0 =	rddreg [dreg:$0x4];
	v3 =	vperm.xlane v3, v2  }
0x2a: {  	[hbm4b:s4+s2] =	stream.indirect_vreg.scatter [tilespmem:s0], [sflag:$0x1], $0x80, v4, vm0, $0xb8;
	[tilespmem:$0x10080] =	vst v63  }
0x2b: {  	s10 =	rddreg [dreg:$0x5];
	v3 =	vadd.s32 v1, v3  }
0x2c: {  	[hbm4b:s5+s2] =	stream.indirect_vreg.scatter [tilespmem:s10], [sflag:$0x1], $0x80, v4, vm0, $0xb8;
	[tilespmem:$0x10080] =	vst v63  }
0x2d: {  	s0 =	rddreg [dreg:$0x6]  }
0x2e: {  	[hbm4b:s6+s2] =	stream.indirect_vreg.scatter [tilespmem:s0], [sflag:$0x1], $0x80, v4, vm0, $0xb8;
	[tilespmem:$0x10080] =	vst v63  }
0x2f: {  	s10 =	rddreg [dreg:$0x7]  }
0x30: {  	[hbm4b:s3+s2] =	stream.indirect_vreg.scatter [tilespmem:s10], [sflag:$0x1], $0x80, v3, vm0, $0xb8;
	[tilespmem:$0x10080] =	vst v63  }
0x31: {  	s0 =	rddreg [dreg:$0x8]  }
0x32: {  	[hbm4b:s4+s2] =	stream.indirect_vreg.scatter [tilespmem:s0], [sflag:$0x1], $0x80, v3, vm0, $0xb8;
	[tilespmem:$0x10080] =	vst v63  }
0x33: {  	s10 =	rddreg [dreg:$0x9]  }
0x34: {  	[hbm4b:s5+s2] =	stream.indirect_vreg.scatter [tilespmem:s10], [sflag:$0x1], $0x80, v3, vm0, $0xb8;
	[tilespmem:$0x10080] =	vst v63  }
0x35: {  	s0 =	rddreg [dreg:$0xa]  }
0x36: {  	[hbm4b:s6+s2] =	stream.indirect_vreg.scatter [tilespmem:s0], [sflag:$0x1], $0x80, v3, vm0, $0xb8;
	[tilespmem:$0x10080] =	vst v63  }
0x37: {  	v3 =	vld [tilespmem:$0x10];
	_ =	sdelay $0x4  }
0x38: {  	v61 =	vshll.u32 v3, $0x3  }
0x39: {  	v3 =	vand.u32 $0x7, v3;
	v4 =	vand.u32 $0xFFFFFFC0, v61  }
0x3a: {  	v3 =	vor.u32 v3, v4  }
0x3b: {  	v4 =	vperm.xlane v3, v0;
	_ =	sdelay $0x1  }
0x3c: {  	v4 =	vadd.s32 v1, v4;
	_ =	sdelay $0x3  }
0x3d: {  	s0 =	rddreg [dreg:$0xb]  }
0x3e: {  	[hbm4b:s3+s2] =	stream.indirect_vreg.scatter [tilespmem:s0], [sflag:$0x1], $0x80, v4, vm0, $0xb8;
	[tilespmem:$0x10080] =	vst v63  }
0x3f: {  	s10 =	rddreg [dreg:$0xc];
	v3 =	vperm.xlane v3, v2  }
0x40: {  	[hbm4b:s4+s2] =	stream.indirect_vreg.scatter [tilespmem:s10], [sflag:$0x1], $0x80, v4, vm0, $0xb8;
	[tilespmem:$0x10080] =	vst v63  }
0x41: {  	v3 =	vadd.s32 v1, v3;
	s0 =	rddreg [dreg:$0xd]  }
0x42: {  	[hbm4b:s5+s2] =	stream.indirect_vreg.scatter [tilespmem:s0], [sflag:$0x1], $0x80, v4, vm0, $0xb8;
	[tilespmem:$0x10080] =	vst v63  }
0x43: {  	s10 =	simm.s32 $0x5880  }
0x44: {  	[hbm4b:s6+s2] =	stream.indirect_vreg.scatter [tilespmem:s10], [sflag:$0x1], $0x80, v4, vm0, $0xb8;
	[tilespmem:$0x10080] =	vst v63  }
0x45: {  	_ = 	snop  }
0x46: {  	[hbm4b:s3+s2] =	stream.indirect_vreg.scatter [tilespmem:s11], [sflag:$0x1], $0x80, v3, vm0, $0xb8;
	[tilespmem:$0x10080] =	vst v63  }
0x47: {  	_ = 	snop  }
0x48: {  	[hbm4b:s4+s2] =	stream.indirect_vreg.scatter [tilespmem:s12], [sflag:$0x1], $0x80, v3, vm0, $0xb8;
	[tilespmem:$0x10080] =	vst v63  }
0x49: {  	_ = 	snop  }
0x4a: {  	[hbm4b:s5+s2] =	stream.indirect_vreg.scatter [tilespmem:s13], [sflag:$0x1], $0x80, v3, vm0, $0xb8;
	[tilespmem:$0x10080] =	vst v63  }
0x4b: {  	_ = 	snop  }
0x4c: {  	[hbm4b:s6+s2] =	stream.indirect_vreg.scatter [tilespmem:s14], [sflag:$0x1], $0x80, v3, vm0, $0xb8;
	[tilespmem:$0x10080] =	vst v63  }
0x4d: {  	v3 =	vld [tilespmem:$0x20];
	_ =	sdelay $0x4  }
0x4e: {  	v62 =	vshll.u32 v3, $0x3  }
0x4f: {  	v3 =	vand.u32 $0x7, v3;
	v4 =	vand.u32 $0xFFFFFFC0, v62  }
0x50: {  	v3 =	vor.u32 v3, v4  }
0x51: {  	v4 =	vperm.xlane v3, v0;
	_ =	sdelay $0x1  }
0x52: {  	v4 =	vadd.s32 v1, v4;
	_ =	sdelay $0x4  }
0x53: {  	[hbm4b:s3+s2] =	stream.indirect_vreg.scatter [tilespmem:s15], [sflag:$0x1], $0x80, v4, vm0, $0xb8;
	[tilespmem:$0x10080] =	vst v63  }
0x54: {  	v3 =	vperm.xlane v3, v2  }
0x55: {  	[hbm4b:s4+s2] =	stream.indirect_vreg.scatter [tilespmem:s16], [sflag:$0x1], $0x80, v4, vm0, $0xb8;
	[tilespmem:$0x10080] =	vst v63  }
0x56: {  	v3 =	vadd.s32 v1, v3  }
0x57: {  	[hbm4b:s5+s2] =	stream.indirect_vreg.scatter [tilespmem:s17], [sflag:$0x1], $0x80, v4, vm0, $0xb8;
	[tilespmem:$0x10080] =	vst v63  }
0x58: {  	_ = 	snop  }
0x59: {  	[hbm4b:s6+s2] =	stream.indirect_vreg.scatter [tilespmem:s18], [sflag:$0x1], $0x80, v4, vm0, $0xb8;
	[tilespmem:$0x10080] =	vst v63  }
0x5a: {  	_ = 	snop  }
0x5b: {  	[hbm4b:s3+s2] =	stream.indirect_vreg.scatter [tilespmem:s19], [sflag:$0x1], $0x80, v3, vm0, $0xb8;
	[tilespmem:$0x10080] =	vst v63  }
0x5c: {  	_ = 	snop  }
0x5d: {  	[hbm4b:s4+s2] =	stream.indirect_vreg.scatter [tilespmem:s20], [sflag:$0x1], $0x80, v3, vm0, $0xb8;
	[tilespmem:$0x10080] =	vst v63  }
0x5e: {  	_ = 	snop  }
0x5f: {  	[hbm4b:s5+s2] =	stream.indirect_vreg.scatter [tilespmem:s21], [sflag:$0x1], $0x80, v3, vm0, $0xb8;
	[tilespmem:$0x10080] =	vst v63  }
0x60: {  	_ = 	snop  }
0x61: {  	[hbm4b:s6+s2] =	stream.indirect_vreg.scatter [tilespmem:s22], [sflag:$0x1], $0x80, v3, vm0, $0xb8;
	[tilespmem:$0x10080] =	vst v63  }
0x62: {  	v3 =	vld [tilespmem:$0x30];
	_ =	sdelay $0x4  }
0x63: {  	v63 =	vshll.u32 v3, $0x3  }
0x64: {  	v3 =	vand.u32 $0x7, v3;
	v4 =	vand.u32 $0xFFFFFFC0, v63  }
0x65: {  	v3 =	vor.u32 v3, v4  }
0x66: {  	v4 =	vperm.xlane v3, v0;
	_ =	sdelay $0x1  }
0x67: {  	v4 =	vadd.s32 v1, v4;
	_ =	sdelay $0x4  }
0x68: {  	[hbm4b:s3+s2] =	stream.indirect_vreg.scatter [tilespmem:s23], [sflag:$0x1], $0x80, v4, vm0, $0xb8;
	[tilespmem:$0x10080] =	vst v63  }
0x69: {  	v3 =	vperm.xlane v3, v2  }
0x6a: {  	[hbm4b:s4+s2] =	stream.indirect_vreg.scatter [tilespmem:s24], [sflag:$0x1], $0x80, v4, vm0, $0xb8;
	[tilespmem:$0x10080] =	vst v63  }
0x6b: {  	v3 =	vadd.s32 v1, v3  }
0x6c: {  	[hbm4b:s5+s2] =	stream.indirect_vreg.scatter [tilespmem:s25], [sflag:$0x1], $0x80, v4, vm0, $0xb8;
	[tilespmem:$0x10080] =	vst v63  }
0x6d: {  	_ = 	snop  }
0x6e: {  	[hbm4b:s6+s2] =	stream.indirect_vreg.scatter [tilespmem:s26], [sflag:$0x1], $0x80, v4, vm0, $0xb8;
	[tilespmem:$0x10080] =	vst v63  }
0x6f: {  	_ = 	snop  }
0x70: {  	[hbm4b:s3+s2] =	stream.indirect_vreg.scatter [tilespmem:s28], [sflag:$0x1], $0x80, v3, vm0, $0xb8;
	[tilespmem:$0x10080] =	vst v63  }
0x71: {  	_ = 	snop  }
0x72: {  	[hbm4b:s4+s2] =	stream.indirect_vreg.scatter [tilespmem:s29], [sflag:$0x1], $0x80, v3, vm0, $0xb8;
	[tilespmem:$0x10080] =	vst v63  }
0x73: {  	p0 =	sne.s32 s7, $0x1  }
0x74: {  	[hbm4b:s5+s2] =	stream.indirect_vreg.scatter [tilespmem:s30], [sflag:$0x1], $0x80, v3, vm0, $0xb8;
	[tilespmem:$0x10080] =	vst v63  }
.Ltmp0:
0x75: {  	_ = 	snop;
	(pc) =	sbr.rel @p0 .LBB2_1-.Ltmp0, $4  }
0x76: {  	[hbm4b:s6+s2] =	stream.indirect_vreg.scatter [tilespmem:s31], [sflag:$0x1], $0x80, v3, vm0, $0xb8;
	[tilespmem:$0x10080] =	vst v63  }
0x77: {  	_ =	swait.ge [sflag:s1], $0x10000  }
0x78: {  	[sflag:s1] =	ssyncset.done $0x0  }
0x79: {  	s7 =	sadd.s32 $0xFFFFFFFF, s7;
	[sflag:s1] =	ssyncadd.s32 $0xFFFF0000  }
0x7a: {  	_ =	sfence.sel $0x180000  }
0x7b: {  	[bflag:$0x0] =	sbarrier.arrive $0xFFFF  }
0x7c: {  	_ =	strace $0x90000047  }
0x7d: {  	s0 =	stileid.u32;
	[bflag:$0x2] =	sbarrier.arrive $0xFFFF  }
0x7e: {  	p0 =	sne.s32 s0, $0x0;
	s0 =	rddreg [dreg:$0x1]  }
0x7f: {  	s0 =	sadd.s32 @!p0 $0x100000, s0  }
0x80: {  	[sflag:s0] =	ssyncadd.tile.s32 @!p0 $0x1;
	_ =	shalt  }
.Lfunc_end2:
_tile_overlayer_lowered:
.L_overlay_start_2:
0x81: {  	(tag) =	ssettag $0x2  }
0x82: {  	s0 =	rddreg [dreg:$0x0];
	s2 =	stileid.u32  }
0x83: {  	s1 =	rddreg [dreg:$0x1];
	p0 =	sne.s32 s2, $0x0  }
0x84: {  	s3 =	rddreg [dreg:$0x2];
	[bflag:$0x3] =	sbarrier.arrive $0xFFFF;
	s2 =	simm.s32 @!p0 $0x1C02  }
0x85: {  	[timem:s3], [sflag:s2] =	dma.local @!p0 [hbm:s0], s1  }
0x86: {  	s0 =	simm.s32 @!p0 $0x2  }
0x87: {  	_ =	swait.ge @!p0 [sflag:s0], s1  }
0x88: {  	s1 =	ssub.s32 @!p0 $0x0, s1;
	[sflag:s0] =	ssyncset.done @!p0 $0x0  }
0x89: {  	[sflag:s0] =	ssyncadd.s32 @!p0 s1  }
0x8a: {  	[bflag:$0x3] =	sbarrier.arrive $0xFFFF  }
0x8b: {  	_ =	shalt  }

// kernel: kernel.15.cloned.1.call-start
scs
__scs_entry_jumppad:
0x0: {  	(pc) =	sbr.rel $0x88, $3  }
0x1: {  	(tag) =	ssettag $0x0;
	lr =	simm.s32 $0x1  }
0x2: {  	[smem:$0x3F92] =	sst lr;
	_ =	strace $0xD0000000  }
0x3: {  	_ = 	snop  }
0x4: {  	_ = 	snop  }
0x5: {  	_ = 	snop  }
0x6: {  	_ = 	snop  }
0x7: {  	_ = 	snop  }
__scs_overlays_trampoline_lowered:
0x8: {  	[smem:$0x3FA1] =	sst s0  }
0x9: {  	[smem:$0x3FA2] =	sst s1  }
0xa: {  	[smem:$0x3FA3] =	sst s2  }
0xb: {  	[smem:$0x3FA4] =	sst s3  }
0xc: {  	[smem:$0x3FA5] =	sst s4  }
0xd: {  	[smem:$0x3FA6] =	sst s5  }
0xe: {  	[smem:$0x3FA7] =	sst s6  }
0xf: {  	[smem:$0x3FA8] =	sst s7  }
0x10: {  	[smem:$0x3FA9] =	sst s8  }
0x11: {  	[smem:$0x3FAA] =	sst s9;
	s0 =	simm.s32 @!p0 $0x0  }
0x12: {  	s1 =	sld [smem:$0x3F90];
	s0 =	simm.s32 @p0 $0x1  }
0x13: {  	[smem:$0x3FAB] =	sst s0;
	s0 =	simm.s32 @!p1 $0x0  }
0x14: {  	s2 =	sld [smem:$0x3F8F];
	s0 =	simm.s32 @p1 $0x1  }
0x15: {  	[smem:$0x3FAC] =	sst s0;
	s0 =	simm.s32 @!p2 $0x0  }
0x16: {  	s3 =	sld [smem:$0x3FDB];
	s0 =	simm.s32 @p2 $0x1  }
0x17: {  	s4 =	simm.s32 $0x1BF5;
	[smem:$0x3FAE] =	sst s0  }
0x18: {  	s0 =	sld [smem:$0x3F91];
	_ =	swait.ge [sflag:s4], $0x0  }
0x19: {  	s7 =	sld [smem:$0x3F92]  }
0x1a: {  	s8 =	sadd.s32 $0xFFFFE003, lr  }
0x1b: {  	s9 =	sadd.s32 $0xFFFFFEF7, lr;
	s5 =	simm.s32 $0xFFFFFFFF;
	p2 =	slt.u32 s8, $0xFFFFF086  }
0x1c: {  	p1 =	slt.u32 s9, $0xF7A;
	s5 =	simm.s32 @!p2 $0x0  }
0x1d: {  	s5 =	simm.s32 @p1 $0x1;
	p0 =	seq.s32 s7, s2  }
0x1e: {  	s7 =	smul.u32 @!p0 $0xF7A, s2;
	p2 =	seq.s32 @!p0 s5, $0x0  }
0x1f: {  	s9 =	smul.u32 $0xF7A, s1;
	s8 =	simm.s32 @!p0 $0x1BF5;
	p2 =	por !p2, p0  }
0x20: {  	[sflag:s8] =	ssyncset.s32 @!p0 $0xFFFFF086;
	s6 =	sadd.s32 @!p0 s3, s7;
	s7 =	simm.s32 @!p0 $0x108  }
0x21: {  	s3 =	sadd.s32 s3, s9;
	s6 =	sadd.s32 @!p0 $0x88, s6;
	s7 =	simm.s32 @p2 $0x1082  }
0x22: {  	[simem:s7], [sflag:s8] =	dma.local @!p0 [hbm:s6], $0xF7A  }
0x23: {  	s9 =	sor.u32 $0xD0000000, s2;
	s6 =	simm.s32 $0x108;
	_ =	swait.ge @!p0 [sflag:s8], $0x0  }
0x24: {  	s3 =	sadd.s32 $0x88, s3;
	s6 =	simm.s32 @!p1 $0x1082;
	[sflag:s4] =	ssyncset.s32 $0xFFFFF086  }
0x25: {  	[simem:s6], [sflag:s4] =	dma.local [hbm:s3], $0xF7A  }
0x26: {  	[smem:$0x3F92] =	sst s1;
	(tag) =	ssettag s2;
	_ =	strace s9  }
0x27: {  	s1 =	sld [smem:$0x3FA2]  }
0x28: {  	s2 =	sld [smem:$0x3FA3]  }
0x29: {  	s4 =	sld [smem:$0x3FA5]  }
0x2a: {  	p0 =	seq.s32 s5, $0x0;
	s5 =	sld [smem:$0x3FA6]  }
0x2b: {  	s6 =	sld [smem:$0x3FA7]  }
0x2c: {  	s7 =	sld [smem:$0x3FA8]  }
0x2d: {  	s3 =	simm.s32 $0x108;
	s8 =	sld [smem:$0x3FA9]  }
0x2e: {  	s3 =	simm.s32 @!p0 $0x1082;
	s9 =	sld [smem:$0x3FAA]  }
0x2f: {  	lr =	sadd.s32 s0, s3;
	s0 =	sld [smem:$0x3FA1]  }
0x30: {  	s3 =	sld [smem:$0x3FA4]  }
0x31: {  	[smem:$0x3FAD] =	sst s10  }
0x32: {  	s10 =	sld [smem:$0x3FAB];
	_ =	sdelay $0x3  }
0x33: {  	p0 =	seq.s32 s10, $0x1;
	s10 =	sld [smem:$0x3FAD];
	_ =	sdelay $0x3  }
0x34: {  	[smem:$0x3FAD] =	sst s10  }
0x35: {  	s10 =	sld [smem:$0x3FAC];
	_ =	sdelay $0x3  }
0x36: {  	p1 =	seq.s32 s10, $0x1;
	s10 =	sld [smem:$0x3FAD];
	_ =	sdelay $0x3  }
0x37: {  	[smem:$0x3FAD] =	sst s10  }
0x38: {  	s10 =	sld [smem:$0x3FAE]  }
0x39: {  	_ = 	snop;
	(pc) =	sbr.ind lr, $3  }
0x3a: {  	_ = 	snop  }
0x3b: {  	_ = 	snop  }
0x3c: {  	p2 =	seq.s32 s10, $0x1;
	s10 =	sld [smem:$0x3FAD]  }
0x3d: {  	_ =	shalt  }
0x3e: {  	_ =	shalt  }
0x3f: {  	_ =	shalt  }
0x40: {  	_ =	shalt  }
0x41: {  	_ =	shalt  }
0x42: {  	_ =	shalt  }
0x43: {  	_ =	shalt  }
0x44: {  	_ =	shalt  }
0x45: {  	_ =	shalt  }
0x46: {  	_ =	shalt  }
0x47: {  	_ =	shalt  }
0x48: {  	_ =	shalt  }
0x49: {  	_ =	shalt  }
0x4a: {  	_ =	shalt  }
0x4b: {  	_ =	shalt  }
0x4c: {  	_ =	shalt  }
0x4d: {  	_ =	shalt  }
0x4e: {  	_ =	shalt  }
0x4f: {  	_ =	shalt  }
0x50: {  	_ =	shalt  }
0x51: {  	_ =	shalt  }
0x52: {  	_ =	shalt  }
0x53: {  	_ =	shalt  }
0x54: {  	_ =	shalt  }
0x55: {  	_ =	shalt  }
0x56: {  	_ =	shalt  }
0x57: {  	_ =	shalt  }
0x58: {  	_ =	shalt  }
0x59: {  	_ =	shalt  }
0x5a: {  	_ =	shalt  }
0x5b: {  	_ =	shalt  }
0x5c: {  	_ =	shalt  }
0x5d: {  	_ =	shalt  }
0x5e: {  	_ =	shalt  }
0x5f: {  	_ =	shalt  }
0x60: {  	_ =	shalt  }
0x61: {  	_ =	shalt  }
0x62: {  	_ =	shalt  }
0x63: {  	_ =	shalt  }
0x64: {  	_ =	shalt  }
0x65: {  	_ =	shalt  }
0x66: {  	_ =	shalt  }
0x67: {  	_ =	shalt  }
0x68: {  	_ =	shalt  }
0x69: {  	_ =	shalt  }
0x6a: {  	_ =	shalt  }
0x6b: {  	_ =	shalt  }
0x6c: {  	_ =	shalt  }
0x6d: {  	_ =	shalt  }
0x6e: {  	_ =	shalt  }
0x6f: {  	_ =	shalt  }
0x70: {  	_ =	shalt  }
0x71: {  	_ =	shalt  }
0x72: {  	_ =	shalt  }
0x73: {  	_ =	shalt  }
0x74: {  	_ =	shalt  }
0x75: {  	_ =	shalt  }
0x76: {  	_ =	shalt  }
0x77: {  	_ =	shalt  }
0x78: {  	_ =	shalt  }
0x79: {  	_ =	shalt  }
0x7a: {  	_ =	shalt  }
0x7b: {  	_ =	shalt  }
0x7c: {  	_ =	shalt  }
0x7d: {  	_ =	shalt  }
0x7e: {  	_ =	shalt  }
0x7f: {  	_ =	shalt  }
0x80: {  	_ =	shalt  }
0x81: {  	_ =	shalt  }
0x82: {  	_ =	shalt  }
0x83: {  	_ =	shalt  }
0x84: {  	_ =	shalt  }
0x85: {  	_ =	shalt  }
0x86: {  	_ =	shalt  }
0x87: {  	_ =	shalt  }
.Lfunc_end0:
.L_simem_size_0:
called_computation.1_lowered:
.L_overlay_start_0:
0x88: {  	s2 =	sld [smem:$0x3FD9]  }
0x89: {  	s3 =	sld [smem:$0x3FFE];
	_ =	sdelay $0x1  }
0x8a: {  	s1 =	srdreg.scid  }
0x8b: {  	s0 =	sand.u32 $0x1, s1  }
0x8c: {  	s17 =	sshll.u32 s0, $0xA;
	s2 =	sadd.s32 s3, s2  }
0x8d: {  	s2 =	sadd.s32 s2, s17  }
0x8e: {  	[smem:$0x3FB9] =	sst s2  }
0x8f: {  	_ = 	snop  }
0x90: {  	s2 =	sld [smem:$0x3FD0];
	(tm) =	ssettm $0x1  }
0x91: {  	s18 =	sld [smem:$0x3FFB];
	_ =	sdelay $0x3  }
0x92: {  	_ =	strace s18  }
0x93: {  	s3 =	sld [smem:$0x3FFC];
	_ =	sdelay $0x3  }
0x94: {  	_ =	strace s3  }
0x95: {  	s3 =	sld [smem:$0x3FFD];
	_ =	sdelay $0x3  }
0x96: {  	_ =	strace s3  }
0x97: {  	_ =	strace $0x8FFFFFFF  }
0x98: {  	s19 =	sld [smem:$0x3FDB];
	_ =	sdelay $0x1  }
0x99: {  	s4 =	simm.s32 $_scs_section_size  }
0x9a: {  	s5 =	simm.s32 $_size__tile_overlayer_lowered;
	s6 =	simm.s32 $_tile_overlayer_lowered  }
0x9b: {  	s22 =	simm.s32 $0x1BFF;
	s21 =	sshll.u32 s6, $0x1;
	s3 =	sadd.s32 s4, s19  }
0x9c: {  	s7 =	simm.s32 $0x0;
	s20 =	sshll.u32 s5, $0x1;
	s5 =	sadd.s32 s21, s3  }
0x9d: {  	[timem:s7], [sflag:s22] =	dma.local [hbm:s5], s20  }
0x9e: {  	_ =	swait.ge [sflag:s22], s20  }
0x9f: {  	s4 =	ssub.s32 $0x0, s20;
	[sflag:s22] =	ssyncset.done $0x0  }
0xa0: {  	[sflag:s22] =	ssyncadd.s32 s4;
	_ =	sdelay $0x1  }
0xa1: {  	s23 =	simm.s32 $0x1B8B  }
0xa2: {  	_ =	swait.ge [sflag:s23], $0x1  }
0xa3: {  	[sflag:s23] =	ssyncset.done $0x0  }
0xa4: {  	s25 =	simm.s32 $0x1B8E;
	s24 =	sld [smem:$0x3FFE];
	[sflag:s23] =	ssyncadd.s32 $0xFFFFFFFF  }
0xa5: {  	s26 =	simm.s32 $execute0_lowered;
	[smem:$0x3FD2] =	sst s25  }
0xa6: {  	s5 =	sshll.u32 s26, $0x1;
	_ =	strace $0x80000049;
	[dreg:$0x1] =	wrdreg $0xFFFFFFFF  }
0xa7: {  	s28 =	simm.s32 $_size_execute0_lowered;
	s3 =	sadd.s32 s3, s5;
	[dreg:$0x0] =	wrdreg $0x0  }
0xa8: {  	s5 =	sshll.u32 s28, $0x1;
	[dreg:$0x2] =	wrdreg s3  }
0xa9: {  	[dreg:$0x3] =	wrdreg s5  }
0xaa: {  	[dreg:$0x4] =	wrdreg $0xC0  }
0xab: {  	_ =	task [dreg:s7], $0x5FFFF  }
0xac: {  	[dreg:$0x1] =	wrdreg $0xFFFFFFFF  }
0xad: {  	[dreg:$0x0] =	wrdreg $0x60  }
0xae: {  	[dreg:$0x2] =	wrdreg s2  }
0xaf: {  	[dreg:$0x3] =	wrdreg s24  }
0xb0: {  	[dreg:$0x4] =	wrdreg $0x9  }
0xb1: {  	_ =	task.clear_ibuf [dreg:s7], $0x5FFFF;
	_ =	strace $0x90000049  }
0xb2: {  	s29 =	simm.s32 $0x9;
	_ =	strace $0x8000004B  }
0xb3: {  	_ =	swait.ge [sflag:s29], $0x1  }
0xb4: {  	[sflag:s29] =	ssyncadd.s32 $0xFFFFFFFF  }
0xb5: {  	_ =	strace $0x9000004B  }
0xb6: {  	_ =	sfence  }
0xb7: {  	s30 =	sld [smem:$0x0];
	_ =	sdelay $0x2  }
0xb8: {  	s31 =	sshll.u32 s1, $0xD;
	s1 =	sshrl.u32 s1, $0x2  }
0xb9: {  	s3 =	sand.u32 $0x4000, s31;
	s1 =	sadd.s32 s1, s30  }
0xba: {  	s0 =	sor.u32 s3, s0;
	s1 =	sshll.u32 s1, $0x11  }
0xbb: {  	s0 =	sor.u32 s1, s0  }
0xbc: {  	s0 =	sadd.s32 $0x8F2B, s0  }
0xbd: {  	[sflag:s0] =	ssyncadd.remote.s32 $0x1  }
0xbe: {  	_ =	sfence.sel $0xFFFF  }
0xbf: {  	[dreg:$0x0] =	wrdreg $0xFFFFFFFF;
	(pc) =	sbr.abs _section_cstart, $3  }
0xc0: {  	[dreg:$0x1] =	wrdreg $0xFFFFFFFF  }
0xc1: {  	_ =	task.clear_ibuf [dreg:s7], $0x2FFFF;
	_ =	strace $0x9FFFFFFF  }
0xc2: {  	(tm) =	ssettm $0x7FFFFFFF  }
0xc3: {  	_ =	shalt  }
tec
execute0_lowered:
.L_overlay_start_1:
0x0: {  	(tag) =	ssettag $0x1  }
0x1: {  	s1 =	srdreg.scid  }
0x2: {  	s0 =	stileid.u32;
	s2 =	rddreg [dreg:$0x0];
	s6 =	sand.u32 $0x1, s1  }
0x3: {  	s9 =	rddreg [dreg:$0x1];
	s30 =	sshll.u32 s0, $0x7;
	s3 =	sshll.u32 s6, $0x6  }
0x4: {  	s7 =	simm.s32 $0x80;
	s8 =	simm.s32 $0x1;
	s10 =	sor.u32 s3, s30  }
0x5: {  	s1 =	rddreg [dreg:$0x2];
	s3 =	simm.s32 $0x0;
	s4 =	sshrl.u32 s10, $0x3  }
0x6: {  	s11 =	ssub.s32 $0x2, s6;
	[smem:$0x7FF] =	sst s3;
	s4 =	sadd.s32 s4, s9  }
0x7: {  	_ =	strace $0x8000004A;
	s5 =	sadd.s32 $0x42800, s4;
	s4 =	simm.s32 $0x2  }
0x8: {  	[tilespmem:s3], [sflag:$0x2] =	stream.linear.gather [hbm4b:s5+s3], $0x40, $0x38;
	[tilespmem:$0x2080] =	vst v63  }
0x9: {  	s6 =	simm.s32 $0x40;
	s12 =	sshrl.u32 s11, $0x1;
	_ =	swait.ge [sflag:s4], $0x40  }
0xa: {  	s10 =	sshll.u32 s10, $0x4;
	s31 =	ssub.s32 s11, s12;
	[sflag:s4] =	ssyncset.done $0x0  }
0xb: {  	s9 =	sadd.s32 s10, s9;
	s10 =	smax.u32 s31, $0x1;
	[sflag:s4] =	ssyncadd.s32 $0xFFFFFFC0  }
0xc: {  	[tilespmem:s7], [sflag:$0x1] =	stream.indirect.gather [hbm4b:s2+s6], $0x80, s3, s6, $0xb8;
	[tilespmem:$0x2080] =	vst v63  }
0xd: {  	p0 =	sne.s32 s10, $0x1;
	_ =	swait.ge [sflag:s8], $0x2000  }
.Ltmp0:
0xe: {  	[sflag:s8] =	ssyncset.done $0x0;
	(pc) =	sbr.rel @!p0 .LBB2_2-.Ltmp0, $4  }
0xf: {  	s9 =	sadd.s32 $0x2800, s9;
	[sflag:s8] =	ssyncadd.s32 $0xFFFFE000  }
0x10: {  	[hbm4b:s9+s3] =	stream.linear.scatter [tilespmem:s7], [sflag:$0x2], $0x2000, $0x38;
	[tilespmem:$0x2080] =	vst v63  }
0x11: {  	_ =	swait.ge [sflag:s4], $0x2000  }
0x12: {  	s10 =	sadd.s32 $0xFFFFFFFF, s10;
	[sflag:s4] =	ssyncset.done $0x0  }
.LBB2_1:
0x13: {  	p0 =	sne.s32 s10, $0x1;
	s10 =	sadd.s32 $0xFFFFFFFF, s10;
	[sflag:s4] =	ssyncadd.s32 $0xFFFFE000  }
0x14: {  	[tilespmem:s3], [sflag:$0x2] =	stream.linear.gather [hbm4b:s5+s3], $0x40, $0x38;
	[tilespmem:$0x2080] =	vst v63  }
0x15: {  	_ =	swait.ge [sflag:s4], $0x40  }
0x16: {  	[sflag:s4] =	ssyncset.done $0x0  }
0x17: {  	[sflag:s4] =	ssyncadd.s32 $0xFFFFFFC0  }
0x18: {  	[tilespmem:s7], [sflag:$0x1] =	stream.indirect.gather [hbm4b:s2+s6], $0x80, s3, s6, $0xb8;
	[tilespmem:$0x2080] =	vst v63  }
0x19: {  	_ =	swait.ge [sflag:s8], $0x2000  }
.Ltmp1:
0x1a: {  	[sflag:s8] =	ssyncset.done $0x0;
	(pc) =	sbr.rel @p0 .LBB2_1-.Ltmp1, $4  }
0x1b: {  	[sflag:s8] =	ssyncadd.s32 $0xFFFFE000  }
0x1c: {  	[hbm4b:s9+s3] =	stream.linear.scatter [tilespmem:s7], [sflag:$0x2], $0x2000, $0x38;
	[tilespmem:$0x2080] =	vst v63  }
0x1d: {  	_ =	swait.ge [sflag:s4], $0x2000  }
0x1e: {  	[sflag:s4] =	ssyncset.done $0x0  }
.LBB2_2:
0x1f: {  	[sflag:s4] =	ssyncadd.s32 $0xFFFFE000  }
0x20: {  	_ =	sfence.sel $0x180000  }
0x21: {  	[bflag:$0x0] =	sbarrier.arrive $0xFFFF  }
0x22: {  	p0 =	sne.s32 s0, $0x0;
	_ =	strace $0x9000004A  }
0x23: {  	s0 =	sadd.s32 @!p0 $0x100000, s1;
	[bflag:$0x2] =	sbarrier.arrive $0xFFFF  }
0x24: {  	[sflag:s0] =	ssyncadd.tile.s32 @!p0 $0x1;
	_ =	shalt  }
.Lfunc_end2:
_tile_overlayer_lowered:
.L_overlay_start_2:
0x25: {  	(tag) =	ssettag $0x2  }
0x26: {  	s0 =	rddreg [dreg:$0x0];
	s2 =	stileid.u32  }
0x27: {  	s1 =	rddreg [dreg:$0x1];
	p0 =	sne.s32 s2, $0x0  }
0x28: {  	s3 =	rddreg [dreg:$0x2];
	[bflag:$0x3] =	sbarrier.arrive $0xFFFF;
	s2 =	simm.s32 @!p0 $0x1C02  }
0x29: {  	[timem:s3], [sflag:s2] =	dma.local @!p0 [hbm:s0], s1  }
0x2a: {  	s0 =	simm.s32 @!p0 $0x2  }
0x2b: {  	_ =	swait.ge @!p0 [sflag:s0], s1  }
0x2c: {  	s1 =	ssub.s32 @!p0 $0x0, s1;
	[sflag:s0] =	ssyncset.done @!p0 $0x0  }
0x2d: {  	[sflag:s0] =	ssyncadd.s32 @!p0 s1  }
0x2e: {  	[bflag:$0x3] =	sbarrier.arrive $0xFFFF  }
0x2f: {  	_ =	shalt  }

// kernel: kernel.18.cloned.1.call-start
scs
__scs_entry_jumppad:
0x0: {  	(pc) =	sbr.rel $0x88, $3  }
0x1: {  	(tag) =	ssettag $0x0;
	lr =	simm.s32 $0x1  }
0x2: {  	[smem:$0x3F92] =	sst lr;
	_ =	strace $0xD0000000  }
0x3: {  	_ = 	snop  }
0x4: {  	_ = 	snop  }
0x5: {  	_ = 	snop  }
0x6: {  	_ = 	snop  }
0x7: {  	_ = 	snop  }
__scs_overlays_trampoline_lowered:
0x8: {  	[smem:$0x3FA1] =	sst s0  }
0x9: {  	[smem:$0x3FA2] =	sst s1  }
0xa: {  	[smem:$0x3FA3] =	sst s2  }
0xb: {  	[smem:$0x3FA4] =	sst s3  }
0xc: {  	[smem:$0x3FA5] =	sst s4  }
0xd: {  	[smem:$0x3FA6] =	sst s5  }
0xe: {  	[smem:$0x3FA7] =	sst s6  }
0xf: {  	[smem:$0x3FA8] =	sst s7  }
0x10: {  	[smem:$0x3FA9] =	sst s8  }
0x11: {  	[smem:$0x3FAA] =	sst s9;
	s0 =	simm.s32 @!p0 $0x0  }
0x12: {  	s1 =	sld [smem:$0x3F90];
	s0 =	simm.s32 @p0 $0x1  }
0x13: {  	[smem:$0x3FAB] =	sst s0;
	s0 =	simm.s32 @!p1 $0x0  }
0x14: {  	s2 =	sld [smem:$0x3F8F];
	s0 =	simm.s32 @p1 $0x1  }
0x15: {  	[smem:$0x3FAC] =	sst s0;
	s0 =	simm.s32 @!p2 $0x0  }
0x16: {  	s3 =	sld [smem:$0x3FDB];
	s0 =	simm.s32 @p2 $0x1  }
0x17: {  	s4 =	simm.s32 $0x1BF5;
	[smem:$0x3FAE] =	sst s0  }
0x18: {  	s0 =	sld [smem:$0x3F91];
	_ =	swait.ge [sflag:s4], $0x0  }
0x19: {  	s7 =	sld [smem:$0x3F92]  }
0x1a: {  	s8 =	sadd.s32 $0xFFFFE003, lr  }
0x1b: {  	s9 =	sadd.s32 $0xFFFFFEF7, lr;
	s5 =	simm.s32 $0xFFFFFFFF;
	p2 =	slt.u32 s8, $0xFFFFF086  }
0x1c: {  	p1 =	slt.u32 s9, $0xF7A;
	s5 =	simm.s32 @!p2 $0x0  }
0x1d: {  	s5 =	simm.s32 @p1 $0x1;
	p0 =	seq.s32 s7, s2  }
0x1e: {  	s7 =	smul.u32 @!p0 $0xF7A, s2;
	p2 =	seq.s32 @!p0 s5, $0x0  }
0x1f: {  	s9 =	smul.u32 $0xF7A, s1;
	s8 =	simm.s32 @!p0 $0x1BF5;
	p2 =	por !p2, p0  }
0x20: {  	[sflag:s8] =	ssyncset.s32 @!p0 $0xFFFFF086;
	s6 =	sadd.s32 @!p0 s3, s7;
	s7 =	simm.s32 @!p0 $0x108  }
0x21: {  	s3 =	sadd.s32 s3, s9;
	s6 =	sadd.s32 @!p0 $0x88, s6;
	s7 =	simm.s32 @p2 $0x1082  }
0x22: {  	[simem:s7], [sflag:s8] =	dma.local @!p0 [hbm:s6], $0xF7A  }
0x23: {  	s9 =	sor.u32 $0xD0000000, s2;
	s6 =	simm.s32 $0x108;
	_ =	swait.ge @!p0 [sflag:s8], $0x0  }
0x24: {  	s3 =	sadd.s32 $0x88, s3;
	s6 =	simm.s32 @!p1 $0x1082;
	[sflag:s4] =	ssyncset.s32 $0xFFFFF086  }
0x25: {  	[simem:s6], [sflag:s4] =	dma.local [hbm:s3], $0xF7A  }
0x26: {  	[smem:$0x3F92] =	sst s1;
	(tag) =	ssettag s2;
	_ =	strace s9  }
0x27: {  	s1 =	sld [smem:$0x3FA2]  }
0x28: {  	s2 =	sld [smem:$0x3FA3]  }
0x29: {  	s4 =	sld [smem:$0x3FA5]  }
0x2a: {  	p0 =	seq.s32 s5, $0x0;
	s5 =	sld [smem:$0x3FA6]  }
0x2b: {  	s6 =	sld [smem:$0x3FA7]  }
0x2c: {  	s7 =	sld [smem:$0x3FA8]  }
0x2d: {  	s3 =	simm.s32 $0x108;
	s8 =	sld [smem:$0x3FA9]  }
0x2e: {  	s3 =	simm.s32 @!p0 $0x1082;
	s9 =	sld [smem:$0x3FAA]  }
0x2f: {  	lr =	sadd.s32 s0, s3;
	s0 =	sld [smem:$0x3FA1]  }
0x30: {  	s3 =	sld [smem:$0x3FA4]  }
0x31: {  	[smem:$0x3FAD] =	sst s10  }
0x32: {  	s10 =	sld [smem:$0x3FAB];
	_ =	sdelay $0x3  }
0x33: {  	p0 =	seq.s32 s10, $0x1;
	s10 =	sld [smem:$0x3FAD];
	_ =	sdelay $0x3  }
0x34: {  	[smem:$0x3FAD] =	sst s10  }
0x35: {  	s10 =	sld [smem:$0x3FAC];
	_ =	sdelay $0x3  }
0x36: {  	p1 =	seq.s32 s10, $0x1;
	s10 =	sld [smem:$0x3FAD];
	_ =	sdelay $0x3  }
0x37: {  	[smem:$0x3FAD] =	sst s10  }
0x38: {  	s10 =	sld [smem:$0x3FAE]  }
0x39: {  	_ = 	snop;
	(pc) =	sbr.ind lr, $3  }
0x3a: {  	_ = 	snop  }
0x3b: {  	_ = 	snop  }
0x3c: {  	p2 =	seq.s32 s10, $0x1;
	s10 =	sld [smem:$0x3FAD]  }
0x3d: {  	_ =	shalt  }
0x3e: {  	_ =	shalt  }
0x3f: {  	_ =	shalt  }
0x40: {  	_ =	shalt  }
0x41: {  	_ =	shalt  }
0x42: {  	_ =	shalt  }
0x43: {  	_ =	shalt  }
0x44: {  	_ =	shalt  }
0x45: {  	_ =	shalt  }
0x46: {  	_ =	shalt  }
0x47: {  	_ =	shalt  }
0x48: {  	_ =	shalt  }
0x49: {  	_ =	shalt  }
0x4a: {  	_ =	shalt  }
0x4b: {  	_ =	shalt  }
0x4c: {  	_ =	shalt  }
0x4d: {  	_ =	shalt  }
0x4e: {  	_ =	shalt  }
0x4f: {  	_ =	shalt  }
0x50: {  	_ =	shalt  }
0x51: {  	_ =	shalt  }
0x52: {  	_ =	shalt  }
0x53: {  	_ =	shalt  }
0x54: {  	_ =	shalt  }
0x55: {  	_ =	shalt  }
0x56: {  	_ =	shalt  }
0x57: {  	_ =	shalt  }
0x58: {  	_ =	shalt  }
0x59: {  	_ =	shalt  }
0x5a: {  	_ =	shalt  }
0x5b: {  	_ =	shalt  }
0x5c: {  	_ =	shalt  }
0x5d: {  	_ =	shalt  }
0x5e: {  	_ =	shalt  }
0x5f: {  	_ =	shalt  }
0x60: {  	_ =	shalt  }
0x61: {  	_ =	shalt  }
0x62: {  	_ =	shalt  }
0x63: {  	_ =	shalt  }
0x64: {  	_ =	shalt  }
0x65: {  	_ =	shalt  }
0x66: {  	_ =	shalt  }
0x67: {  	_ =	shalt  }
0x68: {  	_ =	shalt  }
0x69: {  	_ =	shalt  }
0x6a: {  	_ =	shalt  }
0x6b: {  	_ =	shalt  }
0x6c: {  	_ =	shalt  }
0x6d: {  	_ =	shalt  }
0x6e: {  	_ =	shalt  }
0x6f: {  	_ =	shalt  }
0x70: {  	_ =	shalt  }
0x71: {  	_ =	shalt  }
0x72: {  	_ =	shalt  }
0x73: {  	_ =	shalt  }
0x74: {  	_ =	shalt  }
0x75: {  	_ =	shalt  }
0x76: {  	_ =	shalt  }
0x77: {  	_ =	shalt  }
0x78: {  	_ =	shalt  }
0x79: {  	_ =	shalt  }
0x7a: {  	_ =	shalt  }
0x7b: {  	_ =	shalt  }
0x7c: {  	_ =	shalt  }
0x7d: {  	_ =	shalt  }
0x7e: {  	_ =	shalt  }
0x7f: {  	_ =	shalt  }
0x80: {  	_ =	shalt  }
0x81: {  	_ =	shalt  }
0x82: {  	_ =	shalt  }
0x83: {  	_ =	shalt  }
0x84: {  	_ =	shalt  }
0x85: {  	_ =	shalt  }
0x86: {  	_ =	shalt  }
0x87: {  	_ =	shalt  }
.Lfunc_end0:
.L_simem_size_0:
called_computation.2_lowered:
.L_overlay_start_0:
0x88: {  	s2 =	sld [smem:$0x3FD9]  }
0x89: {  	s3 =	sld [smem:$0x3FFE];
	_ =	sdelay $0x1  }
0x8a: {  	s1 =	srdreg.scid  }
0x8b: {  	s0 =	sand.u32 $0x1, s1  }
0x8c: {  	s17 =	sshll.u32 s0, $0xA;
	s2 =	sadd.s32 s3, s2  }
0x8d: {  	s2 =	sadd.s32 s2, s17  }
0x8e: {  	[smem:$0x3FB9] =	sst s2  }
0x8f: {  	_ = 	snop  }
0x90: {  	s2 =	sld [smem:$0x3FD0];
	(tm) =	ssettm $0x1  }
0x91: {  	s18 =	sld [smem:$0x3FFB];
	_ =	sdelay $0x3  }
0x92: {  	_ =	strace s18  }
0x93: {  	s3 =	sld [smem:$0x3FFC];
	_ =	sdelay $0x3  }
0x94: {  	_ =	strace s3  }
0x95: {  	s3 =	sld [smem:$0x3FFD];
	_ =	sdelay $0x3  }
0x96: {  	_ =	strace s3  }
0x97: {  	_ =	strace $0x8FFFFFFF  }
0x98: {  	s19 =	sld [smem:$0x3FDB];
	_ =	sdelay $0x1  }
0x99: {  	s4 =	simm.s32 $_scs_section_size  }
0x9a: {  	s5 =	simm.s32 $_size__tile_overlayer_lowered;
	s6 =	simm.s32 $_tile_overlayer_lowered  }
0x9b: {  	s22 =	simm.s32 $0x1BFF;
	s21 =	sshll.u32 s6, $0x1;
	s3 =	sadd.s32 s4, s19  }
0x9c: {  	s7 =	simm.s32 $0x0;
	s20 =	sshll.u32 s5, $0x1;
	s5 =	sadd.s32 s21, s3  }
0x9d: {  	[timem:s7], [sflag:s22] =	dma.local [hbm:s5], s20  }
0x9e: {  	_ =	swait.ge [sflag:s22], s20  }
0x9f: {  	s4 =	ssub.s32 $0x0, s20;
	[sflag:s22] =	ssyncset.done $0x0  }
0xa0: {  	[sflag:s22] =	ssyncadd.s32 s4;
	_ =	sdelay $0x1  }
0xa1: {  	s23 =	simm.s32 $0x1B8B  }
0xa2: {  	_ =	swait.ge [sflag:s23], $0x1  }
0xa3: {  	[sflag:s23] =	ssyncset.done $0x0  }
0xa4: {  	s25 =	simm.s32 $0x1B8E;
	s24 =	sld [smem:$0x3FFE];
	[sflag:s23] =	ssyncadd.s32 $0xFFFFFFFF  }
0xa5: {  	s26 =	simm.s32 $execute0_lowered;
	[smem:$0x3FD2] =	sst s25  }
0xa6: {  	s5 =	sshll.u32 s26, $0x1;
	_ =	strace $0x8000004C;
	[dreg:$0x1] =	wrdreg $0xFFFFFFFF  }
0xa7: {  	s28 =	simm.s32 $_size_execute0_lowered;
	s3 =	sadd.s32 s3, s5;
	[dreg:$0x0] =	wrdreg $0x0  }
0xa8: {  	s5 =	sshll.u32 s28, $0x1;
	[dreg:$0x2] =	wrdreg s3  }
0xa9: {  	[dreg:$0x3] =	wrdreg s5  }
0xaa: {  	[dreg:$0x4] =	wrdreg $0xC0  }
0xab: {  	_ =	task [dreg:s7], $0x5FFFF  }
0xac: {  	[dreg:$0x1] =	wrdreg $0xFFFFFFFF  }
0xad: {  	[dreg:$0x0] =	wrdreg $0x60  }
0xae: {  	[dreg:$0x2] =	wrdreg s24  }
0xaf: {  	[dreg:$0x3] =	wrdreg s2  }
0xb0: {  	[dreg:$0x4] =	wrdreg $0x9  }
0xb1: {  	_ =	task.clear_ibuf [dreg:s7], $0x5FFFF;
	_ =	strace $0x9000004C  }
0xb2: {  	s29 =	simm.s32 $0x9;
	_ =	strace $0x8000004E  }
0xb3: {  	_ =	swait.ge [sflag:s29], $0x1  }
0xb4: {  	[sflag:s29] =	ssyncadd.s32 $0xFFFFFFFF  }
0xb5: {  	_ =	strace $0x9000004E  }
0xb6: {  	_ =	sfence  }
0xb7: {  	s30 =	sld [smem:$0x0];
	_ =	sdelay $0x2  }
0xb8: {  	s31 =	sshll.u32 s1, $0xD;
	s1 =	sshrl.u32 s1, $0x2  }
0xb9: {  	s3 =	sand.u32 $0x4000, s31;
	s1 =	sadd.s32 s1, s30  }
0xba: {  	s0 =	sor.u32 s3, s0;
	s1 =	sshll.u32 s1, $0x11  }
0xbb: {  	s0 =	sor.u32 s1, s0  }
0xbc: {  	s0 =	sadd.s32 $0x8F2B, s0  }
0xbd: {  	[sflag:s0] =	ssyncadd.remote.s32 $0x1  }
0xbe: {  	_ =	sfence.sel $0xFFFF  }
0xbf: {  	[dreg:$0x0] =	wrdreg $0xFFFFFFFF;
	(pc) =	sbr.abs _section_cstart, $3  }
0xc0: {  	[dreg:$0x1] =	wrdreg $0xFFFFFFFF  }
0xc1: {  	_ =	task.clear_ibuf [dreg:s7], $0x2FFFF;
	_ =	strace $0x9FFFFFFF  }
0xc2: {  	(tm) =	ssettm $0x7FFFFFFF  }
0xc3: {  	_ =	shalt  }
tec
execute0_lowered:
.L_overlay_start_1:
0x0: {  	(tag) =	ssettag $0x1  }
0x1: {  	s0 =	rddreg [dreg:$0x0]  }
0x2: {  	s1 =	rddreg [dreg:$0x1]  }
0x3: {  	s2 =	srdreg.scid;
	s3 =	stileid.u32;
	s28 =	simm.s32 $0x80  }
0x4: {  	s25 =	simm.s32 $0x1;
	s29 =	simm.s32 $0x1100;
	s30 =	simm.s32 $0x1900  }
0x5: {  	s31 =	simm.s32 $0x2100;
	s13 =	simm.s32 $0x3900;
	s14 =	simm.s32 $0x4100  }
0x6: {  	s15 =	simm.s32 $0x4900;
	s16 =	simm.s32 $0x5100;
	s17 =	simm.s32 $0x5900  }
0x7: {  	s18 =	simm.s32 $0x6100;
	s19 =	simm.s32 $0x6900;
	s20 =	simm.s32 $0x7100  }
0x8: {  	s21 =	simm.s32 $0x7900;
	s22 =	simm.s32 $0x8100;
	s23 =	simm.s32 $0x8900  }
0x9: {  	s24 =	simm.s32 $0x9100;
	s12 =	simm.s32 $0x9900;
	s5 =	sand.u32 $0x1, s2  }
0xa: {  	s2 =	simm.s32 $0x0;
	s3 =	sshll.u32 s3, $0x4;
	s9 =	sadd.s32 $0xA2C00, s0  }
0xb: {  	s10 =	sadd.s32 $0xA2D00, s0;
	s4 =	sshll.u32 s5, $0x3;
	[smem:$0x7FF] =	sst s2  }
0xc: {  	s5 =	ssub.s32 $0x2, s5;
	s6 =	sor.u32 s4, s3;
	_ =	strace $0x8000004D  }
0xd: {  	s3 =	sadd.s32 $0x42A00, s0;
	s4 =	sadd.s32 $0xA2A00, s0;
	s8 =	sshrl.u32 s5, $0x1  }
0xe: {  	[dreg:$0x5] =	wrdreg s28;
	s7 =	sadd.s32 s6, s0;
	s1 =	sadd.s32 s1, s6  }
0xf: {  	v2 =	vlaneseq.u32;
	s11 =	ssub.s32 s5, s8;
	s5 =	sadd.s32 $0x42B00, s0;
	s6 =	sadd.s32 $0x42C00, s0  }
0x10: {  	vm0 =	vmmov $0xffff;
	v1 =	vshrl.u32 v2, $0x3;
	s8 =	sadd.s32 $0xA2B00, s0;
	s7 =	sadd.s32 $0x42800, s7;
	[dreg:$0x4] =	wrdreg s1  }
0x11: {  	v0 =	vand.u32 $0x7, v2;
	v2 =	vor.u32 $0x8, v2;
	v1 =	vmul.u32 $0x8, v1;
	s11 =	smax.u32 s11, $0x1;
	[dreg:$0x3] =	wrdreg s7;
	s7 =	sadd.s32 $0x42D00, s0  }
.LBB2_1:
0x12: {  	s26 =	rddreg [dreg:$0x3];
	s0 =	simm.s32 $0x2  }
0x13: {  	[tilespmem:s2], [sflag:$0x2] =	stream.linear.gather [hbm4b:s26+s2], $0x40, $0x38;
	[tilespmem:$0x10100] =	vst v63  }
0x14: {  	_ =	swait.ge [sflag:s0], $0x40  }
0x15: {  	s1 =	rddreg [dreg:$0x4];
	[sflag:s0] =	ssyncset.done $0x0  }
0x16: {  	s28 =	rddreg [dreg:$0x5];
	[sflag:s0] =	ssyncadd.s32 $0xFFFFFFC0  }
0x17: {  	[tilespmem:s28], [sflag:$0x2] =	stream.linear.gather [hbm4b:s1+s2], $0x40, $0x38;
	[tilespmem:$0x10100] =	vst v63  }
0x18: {  	_ =	swait.ge [sflag:s0], $0x40  }
0x19: {  	[sflag:s0] =	ssyncset.done $0x0  }
0x1a: {  	[sflag:s0] =	ssyncadd.s32 $0xFFFFFFC0  }
0x1b: {  	v3 =	vld [tilespmem:$0x0];
	_ =	sdelay $0x4  }
0x1c: {  	v4 =	vshll.u32 v3, $0x3  }
0x1d: {  	v3 =	vand.u32 $0x7, v3;
	v4 =	vand.u32 $0xFFFFFFC0, v4  }
0x1e: {  	v3 =	vor.u32 v3, v4  }
0x1f: {  	v4 =	vperm.xlane v3, v0;
	_ =	sdelay $0x1  }
0x20: {  	v4 =	vadd.s32 v1, v4;
	_ =	sdelay $0x3  }
0x21: {  	s26 =	simm.s32 $0x100  }
0x22: {  	[tilespmem:s26], [sflag:$0x1] =	stream.indirect_vreg.gather [hbm4b:s3+s2], $0x80, v4, vm0, $0xb8;
	[tilespmem:$0x10100] =	vst v63  }
0x23: {  	s28 =	simm.s32 $0x900;
	v3 =	vperm.xlane v3, v2  }
0x24: {  	[tilespmem:s28], [sflag:$0x1] =	stream.indirect_vreg.gather [hbm4b:s5+s2], $0x80, v4, vm0, $0xb8;
	[tilespmem:$0x10100] =	vst v63  }
0x25: {  	v3 =	vadd.s32 v1, v3  }
0x26: {  	[tilespmem:s29], [sflag:$0x1] =	stream.indirect_vreg.gather [hbm4b:s6+s2], $0x80, v4, vm0, $0xb8;
	[tilespmem:$0x10100] =	vst v63  }
0x27: {  	_ = 	snop  }
0x28: {  	[tilespmem:s30], [sflag:$0x1] =	stream.indirect_vreg.gather [hbm4b:s7+s2], $0x80, v4, vm0, $0xb8;
	[tilespmem:$0x10100] =	vst v63  }
0x29: {  	_ = 	snop  }
0x2a: {  	[tilespmem:s31], [sflag:$0x1] =	stream.indirect_vreg.gather [hbm4b:s3+s2], $0x80, v3, vm0, $0xb8;
	[tilespmem:$0x10100] =	vst v63  }
0x2b: {  	s1 =	simm.s32 $0x2900  }
0x2c: {  	[tilespmem:s1], [sflag:$0x1] =	stream.indirect_vreg.gather [hbm4b:s5+s2], $0x80, v3, vm0, $0xb8;
	[tilespmem:$0x10100] =	vst v63  }
0x2d: {  	s1 =	simm.s32 $0x3100  }
0x2e: {  	[tilespmem:s1], [sflag:$0x1] =	stream.indirect_vreg.gather [hbm4b:s6+s2], $0x80, v3, vm0, $0xb8;
	[tilespmem:$0x10100] =	vst v63  }
0x2f: {  	_ = 	snop  }
0x30: {  	[tilespmem:s13], [sflag:$0x1] =	stream.indirect_vreg.gather [hbm4b:s7+s2], $0x80, v3, vm0, $0xb8;
	[tilespmem:$0x10100] =	vst v63  }
0x31: {  	v3 =	vld [tilespmem:$0x10];
	_ =	sdelay $0x4  }
0x32: {  	v57 =	vshll.u32 v3, $0x3  }
0x33: {  	v3 =	vand.u32 $0x7, v3;
	v4 =	vand.u32 $0xFFFFFFC0, v57  }
0x34: {  	v3 =	vor.u32 v3, v4  }
0x35: {  	v4 =	vperm.xlane v3, v0;
	_ =	sdelay $0x1  }
0x36: {  	v4 =	vadd.s32 v1, v4;
	_ =	sdelay $0x4  }
0x37: {  	[tilespmem:s14], [sflag:$0x1] =	stream.indirect_vreg.gather [hbm4b:s3+s2], $0x80, v4, vm0, $0xb8;
	[tilespmem:$0x10100] =	vst v63  }
0x38: {  	v3 =	vperm.xlane v3, v2  }
0x39: {  	[tilespmem:s15], [sflag:$0x1] =	stream.indirect_vreg.gather [hbm4b:s5+s2], $0x80, v4, vm0, $0xb8;
	[tilespmem:$0x10100] =	vst v63  }
0x3a: {  	v3 =	vadd.s32 v1, v3  }
0x3b: {  	[tilespmem:s16], [sflag:$0x1] =	stream.indirect_vreg.gather [hbm4b:s6+s2], $0x80, v4, vm0, $0xb8;
	[tilespmem:$0x10100] =	vst v63  }
0x3c: {  	_ = 	snop  }
0x3d: {  	[tilespmem:s17], [sflag:$0x1] =	stream.indirect_vreg.gather [hbm4b:s7+s2], $0x80, v4, vm0, $0xb8;
	[tilespmem:$0x10100] =	vst v63  }
0x3e: {  	_ = 	snop  }
0x3f: {  	[tilespmem:s18], [sflag:$0x1] =	stream.indirect_vreg.gather [hbm4b:s3+s2], $0x80, v3, vm0, $0xb8;
	[tilespmem:$0x10100] =	vst v63  }
0x40: {  	_ = 	snop  }
0x41: {  	[tilespmem:s19], [sflag:$0x1] =	stream.indirect_vreg.gather [hbm4b:s5+s2], $0x80, v3, vm0, $0xb8;
	[tilespmem:$0x10100] =	vst v63  }
0x42: {  	_ = 	snop  }
0x43: {  	[tilespmem:s20], [sflag:$0x1] =	stream.indirect_vreg.gather [hbm4b:s6+s2], $0x80, v3, vm0, $0xb8;
	[tilespmem:$0x10100] =	vst v63  }
0x44: {  	_ = 	snop  }
0x45: {  	[tilespmem:s21], [sflag:$0x1] =	stream.indirect_vreg.gather [hbm4b:s7+s2], $0x80, v3, vm0, $0xb8;
	[tilespmem:$0x10100] =	vst v63  }
0x46: {  	v3 =	vld [tilespmem:$0x20];
	_ =	sdelay $0x4  }
0x47: {  	v58 =	vshll.u32 v3, $0x3  }
0x48: {  	v3 =	vand.u32 $0x7, v3;
	v4 =	vand.u32 $0xFFFFFFC0, v58  }
0x49: {  	v3 =	vor.u32 v3, v4  }
0x4a: {  	v4 =	vperm.xlane v3, v0;
	_ =	sdelay $0x1  }
0x4b: {  	v4 =	vadd.s32 v1, v4;
	_ =	sdelay $0x4  }
0x4c: {  	[tilespmem:s22], [sflag:$0x1] =	stream.indirect_vreg.gather [hbm4b:s3+s2], $0x80, v4, vm0, $0xb8;
	[tilespmem:$0x10100] =	vst v63  }
0x4d: {  	v3 =	vperm.xlane v3, v2  }
0x4e: {  	[tilespmem:s23], [sflag:$0x1] =	stream.indirect_vreg.gather [hbm4b:s5+s2], $0x80, v4, vm0, $0xb8;
	[tilespmem:$0x10100] =	vst v63  }
0x4f: {  	v3 =	vadd.s32 v1, v3  }
0x50: {  	[tilespmem:s24], [sflag:$0x1] =	stream.indirect_vreg.gather [hbm4b:s6+s2], $0x80, v4, vm0, $0xb8;
	[tilespmem:$0x10100] =	vst v63  }
0x51: {  	_ = 	snop  }
0x52: {  	[tilespmem:s12], [sflag:$0x1] =	stream.indirect_vreg.gather [hbm4b:s7+s2], $0x80, v4, vm0, $0xb8;
	[tilespmem:$0x10100] =	vst v63  }
0x53: {  	s0 =	simm.s32 $0xA100  }
0x54: {  	[tilespmem:s0], [sflag:$0x1] =	stream.indirect_vreg.gather [hbm4b:s3+s2], $0x80, v3, vm0, $0xb8;
	[tilespmem:$0x10100] =	vst v63  }
0x55: {  	s0 =	simm.s32 $0xA900  }
0x56: {  	[tilespmem:s0], [sflag:$0x1] =	stream.indirect_vreg.gather [hbm4b:s5+s2], $0x80, v3, vm0, $0xb8;
	[tilespmem:$0x10100] =	vst v63  }
0x57: {  	s0 =	simm.s32 $0xB100  }
0x58: {  	[tilespmem:s0], [sflag:$0x1] =	stream.indirect_vreg.gather [hbm4b:s6+s2], $0x80, v3, vm0, $0xb8;
	[tilespmem:$0x10100] =	vst v63  }
0x59: {  	s0 =	simm.s32 $0xB900  }
0x5a: {  	[tilespmem:s0], [sflag:$0x1] =	stream.indirect_vreg.gather [hbm4b:s7+s2], $0x80, v3, vm0, $0xb8;
	[tilespmem:$0x10100] =	vst v63  }
0x5b: {  	v3 =	vld [tilespmem:$0x30];
	_ =	sdelay $0x4  }
0x5c: {  	v59 =	vshll.u32 v3, $0x3  }
0x5d: {  	v3 =	vand.u32 $0x7, v3;
	v4 =	vand.u32 $0xFFFFFFC0, v59  }
0x5e: {  	v3 =	vor.u32 v3, v4  }
0x5f: {  	v4 =	vperm.xlane v3, v0;
	_ =	sdelay $0x1  }
0x60: {  	v4 =	vadd.s32 v1, v4;
	_ =	sdelay $0x3  }
0x61: {  	s0 =	simm.s32 $0xC100  }
0x62: {  	[tilespmem:s0], [sflag:$0x1] =	stream.indirect_vreg.gather [hbm4b:s3+s2], $0x80, v4, vm0, $0xb8;
	[tilespmem:$0x10100] =	vst v63  }
0x63: {  	v3 =	vperm.xlane v3, v2;
	s0 =	simm.s32 $0xC900  }
0x64: {  	[tilespmem:s0], [sflag:$0x1] =	stream.indirect_vreg.gather [hbm4b:s5+s2], $0x80, v4, vm0, $0xb8;
	[tilespmem:$0x10100] =	vst v63  }
0x65: {  	v3 =	vadd.s32 v1, v3;
	s0 =	simm.s32 $0xD100  }
0x66: {  	[tilespmem:s0], [sflag:$0x1] =	stream.indirect_vreg.gather [hbm4b:s6+s2], $0x80, v4, vm0, $0xb8;
	[tilespmem:$0x10100] =	vst v63  }
0x67: {  	s0 =	simm.s32 $0xD900  }
0x68: {  	[tilespmem:s0], [sflag:$0x1] =	stream.indirect_vreg.gather [hbm4b:s7+s2], $0x80, v4, vm0, $0xb8;
	[tilespmem:$0x10100] =	vst v63  }
0x69: {  	s0 =	simm.s32 $0xE100  }
0x6a: {  	[tilespmem:s0], [sflag:$0x1] =	stream.indirect_vreg.gather [hbm4b:s3+s2], $0x80, v3, vm0, $0xb8;
	[tilespmem:$0x10100] =	vst v63  }
0x6b: {  	s0 =	simm.s32 $0xE900  }
0x6c: {  	[tilespmem:s0], [sflag:$0x1] =	stream.indirect_vreg.gather [hbm4b:s5+s2], $0x80, v3, vm0, $0xb8;
	[tilespmem:$0x10100] =	vst v63  }
0x6d: {  	s0 =	simm.s32 $0xF100  }
0x6e: {  	[tilespmem:s0], [sflag:$0x1] =	stream.indirect_vreg.gather [hbm4b:s6+s2], $0x80, v3, vm0, $0xb8;
	[tilespmem:$0x10100] =	vst v63  }
0x6f: {  	s0 =	simm.s32 $0xF900  }
0x70: {  	[tilespmem:s0], [sflag:$0x1] =	stream.indirect_vreg.gather [hbm4b:s7+s2], $0x80, v3, vm0, $0xb8;
	[tilespmem:$0x10100] =	vst v63  }
0x71: {  	_ =	swait.ge [sflag:s25], $0x10000  }
0x72: {  	[sflag:s25] =	ssyncset.done $0x0  }
0x73: {  	[sflag:s25] =	ssyncadd.s32 $0xFFFF0000  }
0x74: {  	v3 =	vld [tilespmem:$0x80];
	_ =	sdelay $0x4  }
0x75: {  	v60 =	vshll.u32 v3, $0x3  }
0x76: {  	v3 =	vand.u32 $0x7, v3;
	v4 =	vand.u32 $0xFFFFFFC0, v60  }
0x77: {  	v3 =	vor.u32 v3, v4  }
0x78: {  	v4 =	vperm.xlane v3, v0;
	_ =	sdelay $0x1  }
0x79: {  	v4 =	vadd.s32 v1, v4;
	_ =	sdelay $0x4  }
0x7a: {  	[hbm4b:s4+s2] =	stream.indirect_vreg.scatter [tilespmem:s26], [sflag:$0x1], $0x80, v4, vm0, $0xb8;
	[tilespmem:$0x10100] =	vst v63  }
0x7b: {  	v3 =	vperm.xlane v3, v2  }
0x7c: {  	[hbm4b:s8+s2] =	stream.indirect_vreg.scatter [tilespmem:s28], [sflag:$0x1], $0x80, v4, vm0, $0xb8;
	[tilespmem:$0x10100] =	vst v63  }
0x7d: {  	v3 =	vadd.s32 v1, v3  }
0x7e: {  	[hbm4b:s9+s2] =	stream.indirect_vreg.scatter [tilespmem:s29], [sflag:$0x1], $0x80, v4, vm0, $0xb8;
	[tilespmem:$0x10100] =	vst v63  }
0x7f: {  	_ = 	snop  }
0x80: {  	[hbm4b:s10+s2] =	stream.indirect_vreg.scatter [tilespmem:s30], [sflag:$0x1], $0x80, v4, vm0, $0xb8;
	[tilespmem:$0x10100] =	vst v63  }
0x81: {  	_ = 	snop  }
0x82: {  	[hbm4b:s4+s2] =	stream.indirect_vreg.scatter [tilespmem:s31], [sflag:$0x1], $0x80, v3, vm0, $0xb8;
	[tilespmem:$0x10100] =	vst v63  }
0x83: {  	s28 =	simm.s32 $0x2900  }
0x84: {  	[hbm4b:s8+s2] =	stream.indirect_vreg.scatter [tilespmem:s28], [sflag:$0x1], $0x80, v3, vm0, $0xb8;
	[tilespmem:$0x10100] =	vst v63  }
0x85: {  	_ = 	snop  }
0x86: {  	[hbm4b:s9+s2] =	stream.indirect_vreg.scatter [tilespmem:s1], [sflag:$0x1], $0x80, v3, vm0, $0xb8;
	[tilespmem:$0x10100] =	vst v63  }
0x87: {  	_ = 	snop  }
0x88: {  	[hbm4b:s10+s2] =	stream.indirect_vreg.scatter [tilespmem:s13], [sflag:$0x1], $0x80, v3, vm0, $0xb8;
	[tilespmem:$0x10100] =	vst v63  }
0x89: {  	v3 =	vld [tilespmem:$0x90];
	_ =	sdelay $0x4  }
0x8a: {  	v61 =	vshll.u32 v3, $0x3  }
0x8b: {  	v3 =	vand.u32 $0x7, v3;
	v4 =	vand.u32 $0xFFFFFFC0, v61  }
0x8c: {  	v3 =	vor.u32 v3, v4  }
0x8d: {  	v4 =	vperm.xlane v3, v0;
	_ =	sdelay $0x1  }
0x8e: {  	v4 =	vadd.s32 v1, v4;
	_ =	sdelay $0x4  }
0x8f: {  	[hbm4b:s4+s2] =	stream.indirect_vreg.scatter [tilespmem:s14], [sflag:$0x1], $0x80, v4, vm0, $0xb8;
	[tilespmem:$0x10100] =	vst v63  }
0x90: {  	v3 =	vperm.xlane v3, v2  }
0x91: {  	[hbm4b:s8+s2] =	stream.indirect_vreg.scatter [tilespmem:s15], [sflag:$0x1], $0x80, v4, vm0, $0xb8;
	[tilespmem:$0x10100] =	vst v63  }
0x92: {  	v3 =	vadd.s32 v1, v3  }
0x93: {  	[hbm4b:s9+s2] =	stream.indirect_vreg.scatter [tilespmem:s16], [sflag:$0x1], $0x80, v4, vm0, $0xb8;
	[tilespmem:$0x10100] =	vst v63  }
0x94: {  	_ = 	snop  }
0x95: {  	[hbm4b:s10+s2] =	stream.indirect_vreg.scatter [tilespmem:s17], [sflag:$0x1], $0x80, v4, vm0, $0xb8;
	[tilespmem:$0x10100] =	vst v63  }
0x96: {  	_ = 	snop  }
0x97: {  	[hbm4b:s4+s2] =	stream.indirect_vreg.scatter [tilespmem:s18], [sflag:$0x1], $0x80, v3, vm0, $0xb8;
	[tilespmem:$0x10100] =	vst v63  }
0x98: {  	_ = 	snop  }
0x99: {  	[hbm4b:s8+s2] =	stream.indirect_vreg.scatter [tilespmem:s19], [sflag:$0x1], $0x80, v3, vm0, $0xb8;
	[tilespmem:$0x10100] =	vst v63  }
0x9a: {  	_ = 	snop  }
0x9b: {  	[hbm4b:s9+s2] =	stream.indirect_vreg.scatter [tilespmem:s20], [sflag:$0x1], $0x80, v3, vm0, $0xb8;
	[tilespmem:$0x10100] =	vst v63  }
0x9c: {  	_ = 	snop  }
0x9d: {  	[hbm4b:s10+s2] =	stream.indirect_vreg.scatter [tilespmem:s21], [sflag:$0x1], $0x80, v3, vm0, $0xb8;
	[tilespmem:$0x10100] =	vst v63  }
0x9e: {  	v3 =	vld [tilespmem:$0xA0];
	_ =	sdelay $0x4  }
0x9f: {  	v62 =	vshll.u32 v3, $0x3  }
0xa0: {  	v3 =	vand.u32 $0x7, v3;
	v4 =	vand.u32 $0xFFFFFFC0, v62  }
0xa1: {  	v3 =	vor.u32 v3, v4  }
0xa2: {  	v4 =	vperm.xlane v3, v0;
	_ =	sdelay $0x1  }
0xa3: {  	v4 =	vadd.s32 v1, v4;
	_ =	sdelay $0x4  }
0xa4: {  	[hbm4b:s4+s2] =	stream.indirect_vreg.scatter [tilespmem:s22], [sflag:$0x1], $0x80, v4, vm0, $0xb8;
	[tilespmem:$0x10100] =	vst v63  }
0xa5: {  	v3 =	vperm.xlane v3, v2  }
0xa6: {  	[hbm4b:s8+s2] =	stream.indirect_vreg.scatter [tilespmem:s23], [sflag:$0x1], $0x80, v4, vm0, $0xb8;
	[tilespmem:$0x10100] =	vst v63  }
0xa7: {  	v3 =	vadd.s32 v1, v3  }
0xa8: {  	[hbm4b:s9+s2] =	stream.indirect_vreg.scatter [tilespmem:s24], [sflag:$0x1], $0x80, v4, vm0, $0xb8;
	[tilespmem:$0x10100] =	vst v63  }
0xa9: {  	_ = 	snop  }
0xaa: {  	[hbm4b:s10+s2] =	stream.indirect_vreg.scatter [tilespmem:s12], [sflag:$0x1], $0x80, v4, vm0, $0xb8;
	[tilespmem:$0x10100] =	vst v63  }
0xab: {  	s28 =	simm.s32 $0xA100  }
0xac: {  	[hbm4b:s4+s2] =	stream.indirect_vreg.scatter [tilespmem:s28], [sflag:$0x1], $0x80, v3, vm0, $0xb8;
	[tilespmem:$0x10100] =	vst v63  }
0xad: {  	s26 =	simm.s32 $0xA900  }
0xae: {  	[hbm4b:s8+s2] =	stream.indirect_vreg.scatter [tilespmem:s26], [sflag:$0x1], $0x80, v3, vm0, $0xb8;
	[tilespmem:$0x10100] =	vst v63  }
0xaf: {  	s28 =	simm.s32 $0xB100  }
0xb0: {  	[hbm4b:s9+s2] =	stream.indirect_vreg.scatter [tilespmem:s28], [sflag:$0x1], $0x80, v3, vm0, $0xb8;
	[tilespmem:$0x10100] =	vst v63  }
0xb1: {  	s26 =	simm.s32 $0xB900  }
0xb2: {  	[hbm4b:s10+s2] =	stream.indirect_vreg.scatter [tilespmem:s26], [sflag:$0x1], $0x80, v3, vm0, $0xb8;
	[tilespmem:$0x10100] =	vst v63  }
0xb3: {  	v3 =	vld [tilespmem:$0xB0];
	_ =	sdelay $0x4  }
0xb4: {  	v63 =	vshll.u32 v3, $0x3  }
0xb5: {  	v3 =	vand.u32 $0x7, v3;
	v4 =	vand.u32 $0xFFFFFFC0, v63  }
0xb6: {  	v3 =	vor.u32 v3, v4  }
0xb7: {  	v4 =	vperm.xlane v3, v0;
	_ =	sdelay $0x1  }
0xb8: {  	v4 =	vadd.s32 v1, v4;
	_ =	sdelay $0x3  }
0xb9: {  	s28 =	simm.s32 $0xC100  }
0xba: {  	[hbm4b:s4+s2] =	stream.indirect_vreg.scatter [tilespmem:s28], [sflag:$0x1], $0x80, v4, vm0, $0xb8;
	[tilespmem:$0x10100] =	vst v63  }
0xbb: {  	s26 =	simm.s32 $0xC900;
	v3 =	vperm.xlane v3, v2  }
0xbc: {  	[hbm4b:s8+s2] =	stream.indirect_vreg.scatter [tilespmem:s26], [sflag:$0x1], $0x80, v4, vm0, $0xb8;
	[tilespmem:$0x10100] =	vst v63  }
0xbd: {  	v3 =	vadd.s32 v1, v3;
	s28 =	simm.s32 $0xD100  }
0xbe: {  	[hbm4b:s9+s2] =	stream.indirect_vreg.scatter [tilespmem:s28], [sflag:$0x1], $0x80, v4, vm0, $0xb8;
	[tilespmem:$0x10100] =	vst v63  }
0xbf: {  	s26 =	simm.s32 $0xD900  }
0xc0: {  	[hbm4b:s10+s2] =	stream.indirect_vreg.scatter [tilespmem:s26], [sflag:$0x1], $0x80, v4, vm0, $0xb8;
	[tilespmem:$0x10100] =	vst v63  }
0xc1: {  	s28 =	simm.s32 $0xE100  }
0xc2: {  	[hbm4b:s4+s2] =	stream.indirect_vreg.scatter [tilespmem:s28], [sflag:$0x1], $0x80, v3, vm0, $0xb8;
	[tilespmem:$0x10100] =	vst v63  }
0xc3: {  	s26 =	simm.s32 $0xE900  }
0xc4: {  	[hbm4b:s8+s2] =	stream.indirect_vreg.scatter [tilespmem:s26], [sflag:$0x1], $0x80, v3, vm0, $0xb8;
	[tilespmem:$0x10100] =	vst v63  }
0xc5: {  	p0 =	sne.s32 s11, $0x1;
	s28 =	simm.s32 $0xF100  }
0xc6: {  	[hbm4b:s9+s2] =	stream.indirect_vreg.scatter [tilespmem:s28], [sflag:$0x1], $0x80, v3, vm0, $0xb8;
	[tilespmem:$0x10100] =	vst v63  }
.Ltmp0:
0xc7: {  	_ = 	snop;
	(pc) =	sbr.rel @p0 .LBB2_1-.Ltmp0, $4  }
0xc8: {  	[hbm4b:s10+s2] =	stream.indirect_vreg.scatter [tilespmem:s0], [sflag:$0x1], $0x80, v3, vm0, $0xb8;
	[tilespmem:$0x10100] =	vst v63  }
0xc9: {  	_ =	swait.ge [sflag:s25], $0x10000  }
0xca: {  	[sflag:s25] =	ssyncset.done $0x0  }
0xcb: {  	s11 =	sadd.s32 $0xFFFFFFFF, s11;
	[sflag:s25] =	ssyncadd.s32 $0xFFFF0000  }
0xcc: {  	_ =	sfence.sel $0x180000  }
0xcd: {  	[bflag:$0x0] =	sbarrier.arrive $0xFFFF  }
0xce: {  	_ =	strace $0x9000004D  }
0xcf: {  	s0 =	stileid.u32;
	[bflag:$0x2] =	sbarrier.arrive $0xFFFF  }
0xd0: {  	p0 =	sne.s32 s0, $0x0;
	s0 =	rddreg [dreg:$0x2]  }
0xd1: {  	s0 =	sadd.s32 @!p0 $0x100000, s0  }
0xd2: {  	[sflag:s0] =	ssyncadd.tile.s32 @!p0 $0x1;
	_ =	shalt  }
.Lfunc_end2:
_tile_overlayer_lowered:
.L_overlay_start_2:
0xd3: {  	(tag) =	ssettag $0x2  }
0xd4: {  	s0 =	rddreg [dreg:$0x0];
	s2 =	stileid.u32  }
0xd5: {  	s1 =	rddreg [dreg:$0x1];
	p0 =	sne.s32 s2, $0x0  }
0xd6: {  	s3 =	rddreg [dreg:$0x2];
	[bflag:$0x3] =	sbarrier.arrive $0xFFFF;
	s2 =	simm.s32 @!p0 $0x1C02  }
0xd7: {  	[timem:s3], [sflag:s2] =	dma.local @!p0 [hbm:s0], s1  }
0xd8: {  	s0 =	simm.s32 @!p0 $0x2  }
0xd9: {  	_ =	swait.ge @!p0 [sflag:s0], s1  }
0xda: {  	s1 =	ssub.s32 @!p0 $0x0, s1;
	[sflag:s0] =	ssyncset.done @!p0 $0x0  }
0xdb: {  	[sflag:s0] =	ssyncadd.s32 @!p0 s1  }
0xdc: {  	[bflag:$0x3] =	sbarrier.arrive $0xFFFF  }
0xdd: {  	_ =	shalt  }

// kernel: kernel.21.cloned.1.call-start
scs
__scs_entry_jumppad:
0x0: {  	(pc) =	sbr.rel $0x88, $3  }
0x1: {  	(tag) =	ssettag $0x0;
	lr =	simm.s32 $0x1  }
0x2: {  	[smem:$0x3F92] =	sst lr;
	_ =	strace $0xD0000000  }
0x3: {  	_ = 	snop  }
0x4: {  	_ = 	snop  }
0x5: {  	_ = 	snop  }
0x6: {  	_ = 	snop  }
0x7: {  	_ = 	snop  }
__scs_overlays_trampoline_lowered:
0x8: {  	[smem:$0x3FA1] =	sst s0  }
0x9: {  	[smem:$0x3FA2] =	sst s1  }
0xa: {  	[smem:$0x3FA3] =	sst s2  }
0xb: {  	[smem:$0x3FA4] =	sst s3  }
0xc: {  	[smem:$0x3FA5] =	sst s4  }
0xd: {  	[smem:$0x3FA6] =	sst s5  }
0xe: {  	[smem:$0x3FA7] =	sst s6  }
0xf: {  	[smem:$0x3FA8] =	sst s7  }
0x10: {  	[smem:$0x3FA9] =	sst s8  }
0x11: {  	[smem:$0x3FAA] =	sst s9;
	s0 =	simm.s32 @!p0 $0x0  }
0x12: {  	s1 =	sld [smem:$0x3F90];
	s0 =	simm.s32 @p0 $0x1  }
0x13: {  	[smem:$0x3FAB] =	sst s0;
	s0 =	simm.s32 @!p1 $0x0  }
0x14: {  	s2 =	sld [smem:$0x3F8F];
	s0 =	simm.s32 @p1 $0x1  }
0x15: {  	[smem:$0x3FAC] =	sst s0;
	s0 =	simm.s32 @!p2 $0x0  }
0x16: {  	s3 =	sld [smem:$0x3FDB];
	s0 =	simm.s32 @p2 $0x1  }
0x17: {  	s4 =	simm.s32 $0x1BF5;
	[smem:$0x3FAE] =	sst s0  }
0x18: {  	s0 =	sld [smem:$0x3F91];
	_ =	swait.ge [sflag:s4], $0x0  }
0x19: {  	s7 =	sld [smem:$0x3F92]  }
0x1a: {  	s8 =	sadd.s32 $0xFFFFE003, lr  }
0x1b: {  	s9 =	sadd.s32 $0xFFFFFEF7, lr;
	s5 =	simm.s32 $0xFFFFFFFF;
	p2 =	slt.u32 s8, $0xFFFFF086  }
0x1c: {  	p1 =	slt.u32 s9, $0xF7A;
	s5 =	simm.s32 @!p2 $0x0  }
0x1d: {  	s5 =	simm.s32 @p1 $0x1;
	p0 =	seq.s32 s7, s2  }
0x1e: {  	s7 =	smul.u32 @!p0 $0xF7A, s2;
	p2 =	seq.s32 @!p0 s5, $0x0  }
0x1f: {  	s9 =	smul.u32 $0xF7A, s1;
	s8 =	simm.s32 @!p0 $0x1BF5;
	p2 =	por !p2, p0  }
0x20: {  	[sflag:s8] =	ssyncset.s32 @!p0 $0xFFFFF086;
	s6 =	sadd.s32 @!p0 s3, s7;
	s7 =	simm.s32 @!p0 $0x108  }
0x21: {  	s3 =	sadd.s32 s3, s9;
	s6 =	sadd.s32 @!p0 $0x88, s6;
	s7 =	simm.s32 @p2 $0x1082  }
0x22: {  	[simem:s7], [sflag:s8] =	dma.local @!p0 [hbm:s6], $0xF7A  }
0x23: {  	s9 =	sor.u32 $0xD0000000, s2;
	s6 =	simm.s32 $0x108;
	_ =	swait.ge @!p0 [sflag:s8], $0x0  }
0x24: {  	s3 =	sadd.s32 $0x88, s3;
	s6 =	simm.s32 @!p1 $0x1082;
	[sflag:s4] =	ssyncset.s32 $0xFFFFF086  }
0x25: {  	[simem:s6], [sflag:s4] =	dma.local [hbm:s3], $0xF7A  }
0x26: {  	[smem:$0x3F92] =	sst s1;
	(tag) =	ssettag s2;
	_ =	strace s9  }
0x27: {  	s1 =	sld [smem:$0x3FA2]  }
0x28: {  	s2 =	sld [smem:$0x3FA3]  }
0x29: {  	s4 =	sld [smem:$0x3FA5]  }
0x2a: {  	p0 =	seq.s32 s5, $0x0;
	s5 =	sld [smem:$0x3FA6]  }
0x2b: {  	s6 =	sld [smem:$0x3FA7]  }
0x2c: {  	s7 =	sld [smem:$0x3FA8]  }
0x2d: {  	s3 =	simm.s32 $0x108;
	s8 =	sld [smem:$0x3FA9]  }
0x2e: {  	s3 =	simm.s32 @!p0 $0x1082;
	s9 =	sld [smem:$0x3FAA]  }
0x2f: {  	lr =	sadd.s32 s0, s3;
	s0 =	sld [smem:$0x3FA1]  }
0x30: {  	s3 =	sld [smem:$0x3FA4]  }
0x31: {  	[smem:$0x3FAD] =	sst s10  }
0x32: {  	s10 =	sld [smem:$0x3FAB];
	_ =	sdelay $0x3  }
0x33: {  	p0 =	seq.s32 s10, $0x1;
	s10 =	sld [smem:$0x3FAD];
	_ =	sdelay $0x3  }
0x34: {  	[smem:$0x3FAD] =	sst s10  }
0x35: {  	s10 =	sld [smem:$0x3FAC];
	_ =	sdelay $0x3  }
0x36: {  	p1 =	seq.s32 s10, $0x1;
	s10 =	sld [smem:$0x3FAD];
	_ =	sdelay $0x3  }
0x37: {  	[smem:$0x3FAD] =	sst s10  }
0x38: {  	s10 =	sld [smem:$0x3FAE]  }
0x39: {  	_ = 	snop;
	(pc) =	sbr.ind lr, $3  }
0x3a: {  	_ = 	snop  }
0x3b: {  	_ = 	snop  }
0x3c: {  	p2 =	seq.s32 s10, $0x1;
	s10 =	sld [smem:$0x3FAD]  }
0x3d: {  	_ =	shalt  }
0x3e: {  	_ =	shalt  }
0x3f: {  	_ =	shalt  }
0x40: {  	_ =	shalt  }
0x41: {  	_ =	shalt  }
0x42: {  	_ =	shalt  }
0x43: {  	_ =	shalt  }
0x44: {  	_ =	shalt  }
0x45: {  	_ =	shalt  }
0x46: {  	_ =	shalt  }
0x47: {  	_ =	shalt  }
0x48: {  	_ =	shalt  }
0x49: {  	_ =	shalt  }
0x4a: {  	_ =	shalt  }
0x4b: {  	_ =	shalt  }
0x4c: {  	_ =	shalt  }
0x4d: {  	_ =	shalt  }
0x4e: {  	_ =	shalt  }
0x4f: {  	_ =	shalt  }
0x50: {  	_ =	shalt  }
0x51: {  	_ =	shalt  }
0x52: {  	_ =	shalt  }
0x53: {  	_ =	shalt  }
0x54: {  	_ =	shalt  }
0x55: {  	_ =	shalt  }
0x56: {  	_ =	shalt  }
0x57: {  	_ =	shalt  }
0x58: {  	_ =	shalt  }
0x59: {  	_ =	shalt  }
0x5a: {  	_ =	shalt  }
0x5b: {  	_ =	shalt  }
0x5c: {  	_ =	shalt  }
0x5d: {  	_ =	shalt  }
0x5e: {  	_ =	shalt  }
0x5f: {  	_ =	shalt  }
0x60: {  	_ =	shalt  }
0x61: {  	_ =	shalt  }
0x62: {  	_ =	shalt  }
0x63: {  	_ =	shalt  }
0x64: {  	_ =	shalt  }
0x65: {  	_ =	shalt  }
0x66: {  	_ =	shalt  }
0x67: {  	_ =	shalt  }
0x68: {  	_ =	shalt  }
0x69: {  	_ =	shalt  }
0x6a: {  	_ =	shalt  }
0x6b: {  	_ =	shalt  }
0x6c: {  	_ =	shalt  }
0x6d: {  	_ =	shalt  }
0x6e: {  	_ =	shalt  }
0x6f: {  	_ =	shalt  }
0x70: {  	_ =	shalt  }
0x71: {  	_ =	shalt  }
0x72: {  	_ =	shalt  }
0x73: {  	_ =	shalt  }
0x74: {  	_ =	shalt  }
0x75: {  	_ =	shalt  }
0x76: {  	_ =	shalt  }
0x77: {  	_ =	shalt  }
0x78: {  	_ =	shalt  }
0x79: {  	_ =	shalt  }
0x7a: {  	_ =	shalt  }
0x7b: {  	_ =	shalt  }
0x7c: {  	_ =	shalt  }
0x7d: {  	_ =	shalt  }
0x7e: {  	_ =	shalt  }
0x7f: {  	_ =	shalt  }
0x80: {  	_ =	shalt  }
0x81: {  	_ =	shalt  }
0x82: {  	_ =	shalt  }
0x83: {  	_ =	shalt  }
0x84: {  	_ =	shalt  }
0x85: {  	_ =	shalt  }
0x86: {  	_ =	shalt  }
0x87: {  	_ =	shalt  }
.Lfunc_end0:
.L_simem_size_0:
called_computation.3_lowered:
.L_overlay_start_0:
0x88: {  	s2 =	sld [smem:$0x3FD9]  }
0x89: {  	s3 =	sld [smem:$0x3FFE];
	_ =	sdelay $0x1  }
0x8a: {  	s1 =	srdreg.scid  }
0x8b: {  	s0 =	sand.u32 $0x1, s1  }
0x8c: {  	s17 =	sshll.u32 s0, $0xA;
	s2 =	sadd.s32 s3, s2  }
0x8d: {  	s2 =	sadd.s32 s2, s17  }
0x8e: {  	[smem:$0x3FB9] =	sst s2  }
0x8f: {  	_ = 	snop  }
0x90: {  	s2 =	sld [smem:$0x3FD0];
	(tm) =	ssettm $0x1  }
0x91: {  	s18 =	sld [smem:$0x3FFB];
	_ =	sdelay $0x3  }
0x92: {  	_ =	strace s18  }
0x93: {  	s3 =	sld [smem:$0x3FFC];
	_ =	sdelay $0x3  }
0x94: {  	_ =	strace s3  }
0x95: {  	s3 =	sld [smem:$0x3FFD];
	_ =	sdelay $0x3  }
0x96: {  	_ =	strace s3  }
0x97: {  	_ =	strace $0x8FFFFFFF  }
0x98: {  	s19 =	sld [smem:$0x3FDB];
	_ =	sdelay $0x1  }
0x99: {  	s4 =	simm.s32 $_scs_section_size  }
0x9a: {  	s5 =	simm.s32 $_size__tile_overlayer_lowered;
	s6 =	simm.s32 $_tile_overlayer_lowered  }
0x9b: {  	s22 =	simm.s32 $0x1BFF;
	s21 =	sshll.u32 s6, $0x1;
	s3 =	sadd.s32 s4, s19  }
0x9c: {  	s7 =	simm.s32 $0x0;
	s20 =	sshll.u32 s5, $0x1;
	s5 =	sadd.s32 s21, s3  }
0x9d: {  	[timem:s7], [sflag:s22] =	dma.local [hbm:s5], s20  }
0x9e: {  	_ =	swait.ge [sflag:s22], s20  }
0x9f: {  	s4 =	ssub.s32 $0x0, s20;
	[sflag:s22] =	ssyncset.done $0x0  }
0xa0: {  	[sflag:s22] =	ssyncadd.s32 s4;
	_ =	sdelay $0x1  }
0xa1: {  	s23 =	simm.s32 $0x1B8B  }
0xa2: {  	_ =	swait.ge [sflag:s23], $0x1  }
0xa3: {  	[sflag:s23] =	ssyncset.done $0x0  }
0xa4: {  	s25 =	simm.s32 $0x1B8E;
	s24 =	sld [smem:$0x3FFE];
	[sflag:s23] =	ssyncadd.s32 $0xFFFFFFFF  }
0xa5: {  	s26 =	simm.s32 $execute0_lowered;
	[smem:$0x3FD2] =	sst s25  }
0xa6: {  	s5 =	sshll.u32 s26, $0x1;
	_ =	strace $0x8000004F;
	[dreg:$0x1] =	wrdreg $0xFFFFFFFF  }
0xa7: {  	s28 =	simm.s32 $_size_execute0_lowered;
	s3 =	sadd.s32 s3, s5;
	[dreg:$0x0] =	wrdreg $0x0  }
0xa8: {  	s5 =	sshll.u32 s28, $0x1;
	[dreg:$0x2] =	wrdreg s3  }
0xa9: {  	[dreg:$0x3] =	wrdreg s5  }
0xaa: {  	[dreg:$0x4] =	wrdreg $0xC0  }
0xab: {  	_ =	task [dreg:s7], $0x5FFFF  }
0xac: {  	[dreg:$0x1] =	wrdreg $0xFFFFFFFF  }
0xad: {  	[dreg:$0x0] =	wrdreg $0x60  }
0xae: {  	[dreg:$0x2] =	wrdreg s24  }
0xaf: {  	[dreg:$0x3] =	wrdreg s2  }
0xb0: {  	[dreg:$0x4] =	wrdreg $0x9  }
0xb1: {  	_ =	task.clear_ibuf [dreg:s7], $0x5FFFF;
	_ =	strace $0x9000004F  }
0xb2: {  	s29 =	simm.s32 $0x9;
	_ =	strace $0x80000051  }
0xb3: {  	_ =	swait.ge [sflag:s29], $0x1  }
0xb4: {  	[sflag:s29] =	ssyncadd.s32 $0xFFFFFFFF  }
0xb5: {  	_ =	strace $0x90000051  }
0xb6: {  	_ =	sfence  }
0xb7: {  	s30 =	sld [smem:$0x0];
	_ =	sdelay $0x2  }
0xb8: {  	s31 =	sshll.u32 s1, $0xD;
	s1 =	sshrl.u32 s1, $0x2  }
0xb9: {  	s3 =	sand.u32 $0x4000, s31;
	s1 =	sadd.s32 s1, s30  }
0xba: {  	s0 =	sor.u32 s3, s0;
	s1 =	sshll.u32 s1, $0x11  }
0xbb: {  	s0 =	sor.u32 s1, s0  }
0xbc: {  	s0 =	sadd.s32 $0x8F2B, s0  }
0xbd: {  	[sflag:s0] =	ssyncadd.remote.s32 $0x1  }
0xbe: {  	_ =	sfence.sel $0xFFFF  }
0xbf: {  	[dreg:$0x0] =	wrdreg $0xFFFFFFFF;
	(pc) =	sbr.abs _section_cstart, $3  }
0xc0: {  	[dreg:$0x1] =	wrdreg $0xFFFFFFFF  }
0xc1: {  	_ =	task.clear_ibuf [dreg:s7], $0x2FFFF;
	_ =	strace $0x9FFFFFFF  }
0xc2: {  	(tm) =	ssettm $0x7FFFFFFF  }
0xc3: {  	_ =	shalt  }
tec
execute0_lowered:
.L_overlay_start_1:
0x0: {  	(tag) =	ssettag $0x1  }
0x1: {  	s1 =	srdreg.scid  }
0x2: {  	s6 =	rddreg [dreg:$0x0];
	s0 =	stileid.u32  }
0x3: {  	s3 =	rddreg [dreg:$0x1];
	s2 =	simm.s32 $0x0;
	s18 =	simm.s32 $0x880  }
0x4: {  	s19 =	simm.s32 $0x1080;
	s20 =	simm.s32 $0x1880;
	s22 =	simm.s32 $0x2080  }
0x5: {  	s23 =	simm.s32 $0x2880;
	s7 =	simm.s32 $0x3080;
	s24 =	simm.s32 $0x3880  }
0x6: {  	s8 =	simm.s32 $0x4080;
	s25 =	simm.s32 $0x4880;
	[smem:$0x7FF] =	sst s2  }
0x7: {  	s26 =	simm.s32 $0x5080;
	_ =	strace $0x80000050;
	[dreg:$0x5] =	wrdreg s18  }
0x8: {  	s9 =	simm.s32 $0x80;
	s11 =	simm.s32 $0x6080;
	[dreg:$0x6] =	wrdreg s19  }
0x9: {  	s12 =	simm.s32 $0x6880;
	s13 =	simm.s32 $0x7080;
	[dreg:$0x7] =	wrdreg s20  }
0xa: {  	s14 =	simm.s32 $0x7880;
	s15 =	simm.s32 $0x8080;
	[dreg:$0x8] =	wrdreg s22  }
0xb: {  	s16 =	simm.s32 $0x8880;
	s28 =	simm.s32 $0xE080;
	[dreg:$0x9] =	wrdreg s23  }
0xc: {  	s29 =	simm.s32 $0xE880;
	s30 =	simm.s32 $0xF080;
	[dreg:$0xa] =	wrdreg s7  }
0xd: {  	s31 =	simm.s32 $0xF880;
	s1 =	sand.u32 $0x1, s1;
	[dreg:$0xb] =	wrdreg s24  }
0xe: {  	s4 =	sshll.u32 s0, $0x7;
	s5 =	sshll.u32 s1, $0x6;
	[dreg:$0xc] =	wrdreg s8  }
0xf: {  	s1 =	ssub.s32 $0x2, s1;
	s8 =	simm.s32 $0x2;
	[dreg:$0xd] =	wrdreg s25  }
0x10: {  	[dreg:$0xe] =	wrdreg s26;
	s18 =	simm.s32 $0x9880;
	s19 =	simm.s32 $0xA080  }
0x11: {  	s20 =	simm.s32 $0xA880;
	s22 =	simm.s32 $0xB880;
	s23 =	simm.s32 $0xC080  }
0x12: {  	s24 =	simm.s32 $0xC880;
	s25 =	simm.s32 $0xD080;
	s4 =	sor.u32 s5, s4  }
0x13: {  	s26 =	simm.s32 $0xD880;
	s21 =	sshrl.u32 s1, $0x1;
	s5 =	sshll.u32 s4, $0x7  }
0x14: {  	s4 =	sshrl.u32 s4, $0x3;
	s1 =	ssub.s32 s1, s21;
	s21 =	simm.s32 $0xB080  }
0x15: {  	s5 =	sadd.s32 s5, s6;
	s3 =	sadd.s32 s3, s4;
	s4 =	sadd.s32 $0x2900, s6  }
0x16: {  	v2 =	vlaneseq.u32;
	s7 =	smax.u32 s1, $0x1;
	s1 =	simm.s32 $0x1;
	[dreg:$0x3] =	wrdreg s3  }
0x17: {  	vm0 =	vmmov $0xffff;
	v1 =	vshrl.u32 v2, $0x3;
	s17 =	sadd.s32 $0x62800, s5;
	s3 =	sadd.s32 $0x2800, s6;
	s5 =	sadd.s32 $0x2A00, s6  }
0x18: {  	v0 =	vand.u32 $0x7, v2;
	v2 =	vor.u32 $0x8, v2;
	v1 =	vmul.u32 $0x8, v1;
	s6 =	sadd.s32 $0x2B00, s6;
	[dreg:$0x4] =	wrdreg s17;
	s17 =	simm.s32 $0x9080  }
.LBB2_1:
0x19: {  	s0 =	rddreg [dreg:$0x3]  }
0x1a: {  	[tilespmem:s2], [sflag:$0x2] =	stream.linear.gather [hbm4b:s0+s2], $0x40, $0x38;
	[tilespmem:$0x10080] =	vst v63  }
0x1b: {  	_ =	swait.ge [sflag:s8], $0x40  }
0x1c: {  	[sflag:s8] =	ssyncset.done $0x0  }
0x1d: {  	[sflag:s8] =	ssyncadd.s32 $0xFFFFFFC0  }
0x1e: {  	v3 =	vld [tilespmem:$0x0];
	_ =	sdelay $0x4  }
0x1f: {  	v4 =	vshll.u32 v3, $0x3  }
0x20: {  	v3 =	vand.u32 $0x7, v3;
	v4 =	vand.u32 $0xFFFFFFC0, v4  }
0x21: {  	v3 =	vor.u32 v3, v4  }
0x22: {  	v4 =	vperm.xlane v3, v0;
	_ =	sdelay $0x1  }
0x23: {  	v4 =	vadd.s32 v1, v4;
	_ =	sdelay $0x4  }
0x24: {  	[tilespmem:s9], [sflag:$0x1] =	stream.indirect_vreg.gather [hbm4b:s3+s2], $0x80, v4, vm0, $0xb8;
	[tilespmem:$0x10080] =	vst v63  }
0x25: {  	s0 =	rddreg [dreg:$0x5];
	v3 =	vperm.xlane v3, v2  }
0x26: {  	[tilespmem:s0], [sflag:$0x1] =	stream.indirect_vreg.gather [hbm4b:s4+s2], $0x80, v4, vm0, $0xb8;
	[tilespmem:$0x10080] =	vst v63  }
0x27: {  	s10 =	rddreg [dreg:$0x6];
	v3 =	vadd.s32 v1, v3  }
0x28: {  	[tilespmem:s10], [sflag:$0x1] =	stream.indirect_vreg.gather [hbm4b:s5+s2], $0x80, v4, vm0, $0xb8;
	[tilespmem:$0x10080] =	vst v63  }
0x29: {  	s0 =	rddreg [dreg:$0x7]  }
0x2a: {  	[tilespmem:s0], [sflag:$0x1] =	stream.indirect_vreg.gather [hbm4b:s6+s2], $0x80, v4, vm0, $0xb8;
	[tilespmem:$0x10080] =	vst v63  }
0x2b: {  	s10 =	rddreg [dreg:$0x8]  }
0x2c: {  	[tilespmem:s10], [sflag:$0x1] =	stream.indirect_vreg.gather [hbm4b:s3+s2], $0x80, v3, vm0, $0xb8;
	[tilespmem:$0x10080] =	vst v63  }
0x2d: {  	s0 =	rddreg [dreg:$0x9]  }
0x2e: {  	[tilespmem:s0], [sflag:$0x1] =	stream.indirect_vreg.gather [hbm4b:s4+s2], $0x80, v3, vm0, $0xb8;
	[tilespmem:$0x10080] =	vst v63  }
0x2f: {  	s10 =	rddreg [dreg:$0xa]  }
0x30: {  	[tilespmem:s10], [sflag:$0x1] =	stream.indirect_vreg.gather [hbm4b:s5+s2], $0x80, v3, vm0, $0xb8;
	[tilespmem:$0x10080] =	vst v63  }
0x31: {  	s0 =	rddreg [dreg:$0xb]  }
0x32: {  	[tilespmem:s0], [sflag:$0x1] =	stream.indirect_vreg.gather [hbm4b:s6+s2], $0x80, v3, vm0, $0xb8;
	[tilespmem:$0x10080] =	vst v63  }
0x33: {  	v3 =	vld [tilespmem:$0x10];
	_ =	sdelay $0x4  }
0x34: {  	v61 =	vshll.u32 v3, $0x3  }
0x35: {  	v3 =	vand.u32 $0x7, v3;
	v4 =	vand.u32 $0xFFFFFFC0, v61  }
0x36: {  	v3 =	vor.u32 v3, v4  }
0x37: {  	v4 =	vperm.xlane v3, v0;
	_ =	sdelay $0x1  }
0x38: {  	v4 =	vadd.s32 v1, v4;
	_ =	sdelay $0x3  }
0x39: {  	s0 =	rddreg [dreg:$0xc]  }
0x3a: {  	[tilespmem:s0], [sflag:$0x1] =	stream.indirect_vreg.gather [hbm4b:s3+s2], $0x80, v4, vm0, $0xb8;
	[tilespmem:$0x10080] =	vst v63  }
0x3b: {  	s10 =	rddreg [dreg:$0xd];
	v3 =	vperm.xlane v3, v2  }
0x3c: {  	[tilespmem:s10], [sflag:$0x1] =	stream.indirect_vreg.gather [hbm4b:s4+s2], $0x80, v4, vm0, $0xb8;
	[tilespmem:$0x10080] =	vst v63  }
0x3d: {  	v3 =	vadd.s32 v1, v3;
	s0 =	rddreg [dreg:$0xe]  }
0x3e: {  	[tilespmem:s0], [sflag:$0x1] =	stream.indirect_vreg.gather [hbm4b:s5+s2], $0x80, v4, vm0, $0xb8;
	[tilespmem:$0x10080] =	vst v63  }
0x3f: {  	s10 =	simm.s32 $0x5880  }
0x40: {  	[tilespmem:s10], [sflag:$0x1] =	stream.indirect_vreg.gather [hbm4b:s6+s2], $0x80, v4, vm0, $0xb8;
	[tilespmem:$0x10080] =	vst v63  }
0x41: {  	_ = 	snop  }
0x42: {  	[tilespmem:s11], [sflag:$0x1] =	stream.indirect_vreg.gather [hbm4b:s3+s2], $0x80, v3, vm0, $0xb8;
	[tilespmem:$0x10080] =	vst v63  }
0x43: {  	_ = 	snop  }
0x44: {  	[tilespmem:s12], [sflag:$0x1] =	stream.indirect_vreg.gather [hbm4b:s4+s2], $0x80, v3, vm0, $0xb8;
	[tilespmem:$0x10080] =	vst v63  }
0x45: {  	_ = 	snop  }
0x46: {  	[tilespmem:s13], [sflag:$0x1] =	stream.indirect_vreg.gather [hbm4b:s5+s2], $0x80, v3, vm0, $0xb8;
	[tilespmem:$0x10080] =	vst v63  }
0x47: {  	_ = 	snop  }
0x48: {  	[tilespmem:s14], [sflag:$0x1] =	stream.indirect_vreg.gather [hbm4b:s6+s2], $0x80, v3, vm0, $0xb8;
	[tilespmem:$0x10080] =	vst v63  }
0x49: {  	v3 =	vld [tilespmem:$0x20];
	_ =	sdelay $0x4  }
0x4a: {  	v62 =	vshll.u32 v3, $0x3  }
0x4b: {  	v3 =	vand.u32 $0x7, v3;
	v4 =	vand.u32 $0xFFFFFFC0, v62  }
0x4c: {  	v3 =	vor.u32 v3, v4  }
0x4d: {  	v4 =	vperm.xlane v3, v0;
	_ =	sdelay $0x1  }
0x4e: {  	v4 =	vadd.s32 v1, v4;
	_ =	sdelay $0x4  }
0x4f: {  	[tilespmem:s15], [sflag:$0x1] =	stream.indirect_vreg.gather [hbm4b:s3+s2], $0x80, v4, vm0, $0xb8;
	[tilespmem:$0x10080] =	vst v63  }
0x50: {  	v3 =	vperm.xlane v3, v2  }
0x51: {  	[tilespmem:s16], [sflag:$0x1] =	stream.indirect_vreg.gather [hbm4b:s4+s2], $0x80, v4, vm0, $0xb8;
	[tilespmem:$0x10080] =	vst v63  }
0x52: {  	v3 =	vadd.s32 v1, v3  }
0x53: {  	[tilespmem:s17], [sflag:$0x1] =	stream.indirect_vreg.gather [hbm4b:s5+s2], $0x80, v4, vm0, $0xb8;
	[tilespmem:$0x10080] =	vst v63  }
0x54: {  	_ = 	snop  }
0x55: {  	[tilespmem:s18], [sflag:$0x1] =	stream.indirect_vreg.gather [hbm4b:s6+s2], $0x80, v4, vm0, $0xb8;
	[tilespmem:$0x10080] =	vst v63  }
0x56: {  	_ = 	snop  }
0x57: {  	[tilespmem:s19], [sflag:$0x1] =	stream.indirect_vreg.gather [hbm4b:s3+s2], $0x80, v3, vm0, $0xb8;
	[tilespmem:$0x10080] =	vst v63  }
0x58: {  	_ = 	snop  }
0x59: {  	[tilespmem:s20], [sflag:$0x1] =	stream.indirect_vreg.gather [hbm4b:s4+s2], $0x80, v3, vm0, $0xb8;
	[tilespmem:$0x10080] =	vst v63  }
0x5a: {  	_ = 	snop  }
0x5b: {  	[tilespmem:s21], [sflag:$0x1] =	stream.indirect_vreg.gather [hbm4b:s5+s2], $0x80, v3, vm0, $0xb8;
	[tilespmem:$0x10080] =	vst v63  }
0x5c: {  	_ = 	snop  }
0x5d: {  	[tilespmem:s22], [sflag:$0x1] =	stream.indirect_vreg.gather [hbm4b:s6+s2], $0x80, v3, vm0, $0xb8;
	[tilespmem:$0x10080] =	vst v63  }
0x5e: {  	v3 =	vld [tilespmem:$0x30];
	_ =	sdelay $0x4  }
0x5f: {  	v63 =	vshll.u32 v3, $0x3  }
0x60: {  	v3 =	vand.u32 $0x7, v3;
	v4 =	vand.u32 $0xFFFFFFC0, v63  }
0x61: {  	v3 =	vor.u32 v3, v4  }
0x62: {  	v4 =	vperm.xlane v3, v0;
	_ =	sdelay $0x1  }
0x63: {  	v4 =	vadd.s32 v1, v4;
	_ =	sdelay $0x4  }
0x64: {  	[tilespmem:s23], [sflag:$0x1] =	stream.indirect_vreg.gather [hbm4b:s3+s2], $0x80, v4, vm0, $0xb8;
	[tilespmem:$0x10080] =	vst v63  }
0x65: {  	v3 =	vperm.xlane v3, v2  }
0x66: {  	[tilespmem:s24], [sflag:$0x1] =	stream.indirect_vreg.gather [hbm4b:s4+s2], $0x80, v4, vm0, $0xb8;
	[tilespmem:$0x10080] =	vst v63  }
0x67: {  	v3 =	vadd.s32 v1, v3  }
0x68: {  	[tilespmem:s25], [sflag:$0x1] =	stream.indirect_vreg.gather [hbm4b:s5+s2], $0x80, v4, vm0, $0xb8;
	[tilespmem:$0x10080] =	vst v63  }
0x69: {  	_ = 	snop  }
0x6a: {  	[tilespmem:s26], [sflag:$0x1] =	stream.indirect_vreg.gather [hbm4b:s6+s2], $0x80, v4, vm0, $0xb8;
	[tilespmem:$0x10080] =	vst v63  }
0x6b: {  	_ = 	snop  }
0x6c: {  	[tilespmem:s28], [sflag:$0x1] =	stream.indirect_vreg.gather [hbm4b:s3+s2], $0x80, v3, vm0, $0xb8;
	[tilespmem:$0x10080] =	vst v63  }
0x6d: {  	_ = 	snop  }
0x6e: {  	[tilespmem:s29], [sflag:$0x1] =	stream.indirect_vreg.gather [hbm4b:s4+s2], $0x80, v3, vm0, $0xb8;
	[tilespmem:$0x10080] =	vst v63  }
0x6f: {  	_ = 	snop  }
0x70: {  	[tilespmem:s30], [sflag:$0x1] =	stream.indirect_vreg.gather [hbm4b:s5+s2], $0x80, v3, vm0, $0xb8;
	[tilespmem:$0x10080] =	vst v63  }
0x71: {  	_ = 	snop  }
0x72: {  	[tilespmem:s31], [sflag:$0x1] =	stream.indirect_vreg.gather [hbm4b:s6+s2], $0x80, v3, vm0, $0xb8;
	[tilespmem:$0x10080] =	vst v63  }
0x73: {  	_ =	swait.ge [sflag:s1], $0x10000  }
0x74: {  	p0 =	sne.s32 s7, $0x1;
	[sflag:s1] =	ssyncset.done $0x0  }
.Ltmp0:
0x75: {  	s10 =	rddreg [dreg:$0x4];
	[sflag:s1] =	ssyncadd.s32 $0xFFFF0000;
	(pc) =	sbr.rel @p0 .LBB2_1-.Ltmp0, $4  }
0x76: {  	[hbm4b:s10+s2] =	stream.linear.scatter [tilespmem:s9], [sflag:$0x2], $0x10000, $0x38;
	[tilespmem:$0x10080] =	vst v63  }
0x77: {  	_ =	swait.ge [sflag:s8], $0x10000  }
0x78: {  	[sflag:s8] =	ssyncset.done $0x0  }
0x79: {  	s7 =	sadd.s32 $0xFFFFFFFF, s7;
	[sflag:s8] =	ssyncadd.s32 $0xFFFF0000  }
0x7a: {  	_ =	sfence.sel $0x180000  }
0x7b: {  	[bflag:$0x0] =	sbarrier.arrive $0xFFFF  }
0x7c: {  	_ =	strace $0x90000050  }
0x7d: {  	s0 =	stileid.u32;
	[bflag:$0x2] =	sbarrier.arrive $0xFFFF  }
0x7e: {  	p0 =	sne.s32 s0, $0x0;
	s0 =	rddreg [dreg:$0x2]  }
0x7f: {  	s0 =	sadd.s32 @!p0 $0x100000, s0  }
0x80: {  	[sflag:s0] =	ssyncadd.tile.s32 @!p0 $0x1;
	_ =	shalt  }
.Lfunc_end2:
_tile_overlayer_lowered:
.L_overlay_start_2:
0x81: {  	(tag) =	ssettag $0x2  }
0x82: {  	s0 =	rddreg [dreg:$0x0];
	s2 =	stileid.u32  }
0x83: {  	s1 =	rddreg [dreg:$0x1];
	p0 =	sne.s32 s2, $0x0  }
0x84: {  	s3 =	rddreg [dreg:$0x2];
	[bflag:$0x3] =	sbarrier.arrive $0xFFFF;
	s2 =	simm.s32 @!p0 $0x1C02  }
0x85: {  	[timem:s3], [sflag:s2] =	dma.local @!p0 [hbm:s0], s1  }
0x86: {  	s0 =	simm.s32 @!p0 $0x2  }
0x87: {  	_ =	swait.ge @!p0 [sflag:s0], s1  }
0x88: {  	s1 =	ssub.s32 @!p0 $0x0, s1;
	[sflag:s0] =	ssyncset.done @!p0 $0x0  }
0x89: {  	[sflag:s0] =	ssyncadd.s32 @!p0 s1  }
0x8a: {  	[bflag:$0x3] =	sbarrier.arrive $0xFFFF  }
0x8b: {  	_ =	shalt  }

</sc_bundles>
